<compile_context>
chip_gen: v7x
topology: tpu7x:2x2x1
jax: 0.10.2.dev20260603
libtpu: 0.0.44.dev20260713+nightly
codegen_flags: <defaults>
</compile_context>

<pallas_src>
import functools

import jax
import jax.numpy as jnp
from jax import lax
from jax.experimental import pallas as pl
from jax.experimental.pallas import tpu as pltpu
from jax.experimental.pallas import tpu_sc as plsc

B, C, H, W = 32, 256, 32, 32
M, E, K = 4, 64, 2
I = E * H * W
HW = H * W
IBLK = 4096
IK = I // IBLK

NC, NS = 2, 16
NW = NC * NS
ROWS = B * M * K
RPW = ROWS // NW


def _router_body(x_ref, w_ref, loss_ref, idx_ref, gate_ref, acc_ref):
    m = pl.program_id(0)
    k = pl.program_id(1)

    @pl.when(k == 0)
    def _init():
        acc_ref[pl.ds(m, 1)] = jnp.zeros((1, B, E), jnp.float32)

    acc_ref[pl.ds(m, 1)] += jnp.dot(
        x_ref[...], w_ref[...], preferred_element_type=jnp.float32
    )[None]

    @pl.when((m == M - 1) & (k == IK - 1))
    def _route():
        logits = acc_ref[...]
        z = logits - jnp.max(logits, axis=2, keepdims=True)
        ez = jnp.exp(z)
        p = ez / jnp.sum(ez, axis=2, keepdims=True)
        iota = lax.broadcasted_iota(jnp.int32, (M, B, E), 2)
        m1 = jnp.max(p, axis=2, keepdims=True)
        i1 = jnp.min(jnp.where(p == m1, iota, E), axis=2, keepdims=True)
        mask1 = iota == i1
        p2 = jnp.where(mask1, -1.0, p)
        m2 = jnp.max(p2, axis=2, keepdims=True)
        i2 = jnp.min(jnp.where(p2 == m2, iota, E), axis=2, keepdims=True)
        denom = m1 + m2 + 1e-6
        g1 = m1 / denom
        g2 = m2 / denom
        oh1 = mask1.astype(jnp.float32)
        oh2 = (iota == i2).astype(jnp.float32)
        imp = jnp.sum(g1 * oh1 + g2 * oh2, axis=1)
        loadv = jnp.sum(oh1 + oh2, axis=1)

        def cv2(v):
            n = M * E
            s = jnp.sum(v)
            ss = jnp.sum(v * v)
            mean = s / n
            var = (ss - n * mean * mean) / (n - 1)
            return var / (mean * mean + 1e-10)

        loss_ref[...] = jnp.reshape((cv2(imp) + cv2(loadv)) * 0.01, (1, 1))
        midx = lax.broadcasted_iota(jnp.int32, (M, B, 1), 0)
        bidx = lax.broadcasted_iota(jnp.int32, (M, B, 1), 1)
        base = bidx * C + midx * E
        idx_ref[:, :, 0:1] = base + i1
        idx_ref[:, :, 1:2] = base + i2
        gate_ref[:, :, 0:1] = g1
        gate_ref[:, :, 1:2] = g2


_router = pl.pallas_call(
    _router_body,
    grid=(M, IK),
    in_specs=[
        pl.BlockSpec((B, IBLK), lambda m, k: (0, m * IK + k)),
        pl.BlockSpec((IBLK, E), lambda m, k: (m * IK + k, 0)),
    ],
    out_specs=[
        pl.BlockSpec((1, 1), lambda m, k: (0, 0)),
        pl.BlockSpec((M, B, K), lambda m, k: (0, 0, 0)),
        pl.BlockSpec((M, B, K), lambda m, k: (0, 0, 0)),
    ],
    out_shape=[
        jax.ShapeDtypeStruct((1, 1), jnp.float32),
        jax.ShapeDtypeStruct((M, B, K), jnp.int32),
        jax.ShapeDtypeStruct((M, B, K), jnp.float32),
    ],
    scratch_shapes=[pltpu.VMEM((M, B, E), jnp.float32)],
)


def _dispatch_body(xrows, arows, idx_hbm, gates_hbm, ox, oa,
                   idx_v, g_v, xr_v, ar_v, sem):
    wid = lax.axis_index("s") * NC + lax.axis_index("c")
    base = wid * RPW
    pltpu.sync_copy(idx_hbm.at[pl.ds(base, RPW)], idx_v)
    cx = pltpu.async_copy(xrows.at[idx_v], xr_v, sem)
    ca = pltpu.async_copy(arows.at[idx_v], ar_v, sem)
    pltpu.sync_copy(gates_hbm.at[pl.ds(base, RPW)], g_v)
    cx.wait()
    ca.wait()
    for r in range(RPW):
        g = g_v[r, :]

        def body(c, carry, r=r, g=g):
            sl = pl.ds(pl.multiple_of(c * 16, 16), 16)
            xr_v[r, sl] = xr_v[r, sl] * g
            ar_v[r, sl] = ar_v[r, sl] * g
            return carry

        lax.fori_loop(0, HW // 16, body, 0)
    pltpu.sync_copy(xr_v, ox.at[pl.ds(base, RPW)])
    pltpu.sync_copy(ar_v, oa.at[pl.ds(base, RPW)])


@functools.cache
def _get_dispatch():
    return functools.partial(
        pl.kernel,
        mesh=plsc.VectorSubcoreMesh(core_axis_name="c", subcore_axis_name="s"),
        out_type=[
            jax.ShapeDtypeStruct((ROWS, HW), jnp.float32),
            jax.ShapeDtypeStruct((ROWS, HW), jnp.float32),
        ],
        scratch_types=[
            pltpu.VMEM((RPW,), jnp.int32),
            pltpu.VMEM((RPW, 16), jnp.float32),
            pltpu.VMEM((RPW, HW), jnp.float32),
            pltpu.VMEM((RPW, HW), jnp.float32),
            pltpu.SemaphoreType.DMA,
        ],
    )(_dispatch_body)


def kernel(x, absolute_feature, w_gate):
    x2 = x.reshape(B, C * HW)
    w2 = w_gate.reshape(M * I, E)
    loss2, idx_mbk, gate_mbk = _router(x2, w2)
    loss = loss2[0, 0]
    idx_flat = jnp.transpose(idx_mbk, (1, 0, 2)).reshape(ROWS)
    gate_flat = jnp.transpose(gate_mbk, (1, 0, 2)).reshape(ROWS)
    gates_rep = jnp.broadcast_to(gate_flat[:, None], (ROWS, 16))
    xrows = x.reshape(B * C, HW)
    arows = absolute_feature.reshape(B * C, HW)
    ox, oa = _get_dispatch()(xrows, arows, idx_flat, gates_rep)
    wx = ox.reshape(B, M * K, H, W)
    wa = oa.reshape(B, M * K, H, W)
    return (loss, wa, wx)

# --- scband reference (transcript-rebuilt; emitter-appended) ---
"""Pipeline reference for scband-mo-e-22840636080747 (READ-ONLY COPY).

The authoritative reference and input builder live on the scoring server;
editing this copy changes nothing except your own understanding.
"""

import jax, jax.numpy as jnp
import numpy as np

B, C, H, W = 32, 256, 32, 32
MOE_NUM, NUM_EXPERTS, K = 4, 64, 2
INPUT_SIZE = NUM_EXPERTS * H * W  # 65536 = C*H*W / MOE_NUM


def setup_inputs(seed: int = 0) -> dict:
    key = jax.random.key(seed)
    k1, k2, k3 = jax.random.split(key, 3)
    x = jax.random.normal(k1, (B, C, H, W), dtype=jnp.float32)
    absolute_feature = jax.random.normal(k2, (B, C, H, W), dtype=jnp.float32)
    # learned gating parameter (torch inits to zeros; use small random so top-k is non-degenerate)
    w_gate = jax.random.normal(k3, (MOE_NUM, INPUT_SIZE, NUM_EXPERTS), dtype=jnp.float32) * 0.02
    return {"x": x, "absolute_feature": absolute_feature, "w_gate": w_gate}


def _cv_squared(v):
    # torch: x.float().var() (unbiased) / (x.float().mean()**2 + eps), over all elements
    v = v.astype(jnp.float32)
    if v.shape[0] == 1:
        return jnp.zeros(())
    return jnp.var(v, ddof=1) / (jnp.mean(v) ** 2 + 1e-10)


def reference(x, absolute_feature, w_gate):
    Bx = x.shape[0]
    x_flatten = x.reshape(Bx, -1)
    xs = x_flatten.reshape(Bx, MOE_NUM, INPUT_SIZE)
    clean_logits = jnp.einsum('bmi,min->bmn', xs, w_gate)
    # noisy_gating=False -> logits = clean_logits
    logits = jax.nn.softmax(clean_logits, axis=2)
    top_logits, top_indices = jax.lax.top_k(logits, min(K + 1, NUM_EXPERTS))
    top_k_logits = top_logits[:, :, :K]
    top_k_indices = top_indices[:, :, :K]
    top_k_gates = top_k_logits / (jnp.sum(top_k_logits, axis=2, keepdims=True) + 1e-6)
    gates = jnp.zeros_like(logits)
    bidx = jnp.arange(Bx)[:, None, None]
    midx = jnp.arange(MOE_NUM)[None, :, None]
    gates = gates.at[bidx, midx, top_k_indices].set(top_k_gates)
    # noisy branch off -> load = _gates_to_load(gates)
    load = (gates > 0).sum(axis=0).astype(jnp.float32)
    importance = gates.sum(axis=0)
    loss = (_cv_squared(importance) + _cv_squared(load)) * 0.01
    tki_flat = top_k_indices.reshape(Bx, -1)  # [B, MOE_NUM*K]
    offsets = jnp.repeat(jnp.arange(MOE_NUM), K) * NUM_EXPERTS
    ch_idx = tki_flat + offsets[None, :]
    top_k_absolute_feature = jnp.take_along_axis(absolute_feature, ch_idx[:, :, None, None], axis=1)
    top_k_adaptive_channel = jnp.take_along_axis(x, ch_idx[:, :, None, None], axis=1)
    gates_expanded = top_k_gates.reshape(Bx, -1)[:, :, None, None]
    weighted_top_k_adaptive_channel = top_k_adaptive_channel * gates_expanded
    weighted_top_k_absolute_feature = top_k_absolute_feature * gates_expanded
    return (loss, weighted_top_k_absolute_feature, weighted_top_k_adaptive_channel)

if __name__ == "__main__":
    import jax
    _d = setup_inputs()
    print(jax.jit(kernel)(*tuple(_d.values())))

</pallas_src>

<mosaic_0001>
#map = affine_map<(d0, d1) -> (0, 0)>
#map1 = affine_map<(d0, d1) -> (0)>
module attributes {stable_mosaic.version = 14 : i64} {
  func.func @_dispatch_body(%arg0: i32, %arg1: i32, %arg2: memref<8192x1024xf32, #tpu.memory_space<hbm>>, %arg3: memref<8192x1024xf32, #tpu.memory_space<hbm>>, %arg4: memref<256xi32, #tpu.memory_space<hbm>>, %arg5: memref<256x16xf32, #tpu.memory_space<hbm>>, %arg6: memref<256x1024xf32, #tpu.memory_space<hbm>>, %arg7: memref<256x1024xf32, #tpu.memory_space<hbm>>, %arg8: memref<8xi32, #tpu.memory_space<vmem>>, %arg9: memref<8x16xf32, #tpu.memory_space<vmem>>, %arg10: memref<8x1024xf32, #tpu.memory_space<vmem>>, %arg11: memref<8x1024xf32, #tpu.memory_space<vmem>>, %arg12: memref<!tpu.dma_semaphore, #tpu.memory_space<semaphore_mem>>) attributes {dimension_semantics = [#tpu.dimension_semantics<core_parallel>, #tpu.dimension_semantics<subcore_parallel>], iteration_bounds = array<i64: 2, 16>, scalar_prefetch = 0 : i64, scratch_operands = 5 : i64, tpu.core_type = #tpu.core_type<sc_vector_subcore>, window_params = [{transform_indices = #map}, {transform_indices = #map}, {transform_indices = #map1}, {transform_indices = #map}, {transform_indices = #map}, {transform_indices = #map}]} {
    %mul3A = arith.constant 2 : i32
    %mul3A_0 = arith.muli %arg1, %mul3A : i32
    %add3A = arith.addi %mul3A_0, %arg0 : i32
    %mul3A_1 = arith.constant 8 : i32
    %mul3A_2 = arith.muli %add3A, %mul3A_1 : i32
    "tpu.region"() ({
      %run_scoped3A = tpu.sem_alloc : memref<!tpu.dma_semaphore, #tpu.memory_space<semaphore_mem>>
      %dma_start3A_99 = tpu.memref_slice %arg4[%mul3A_2] : memref<256xi32, #tpu.memory_space<hbm>> -> memref<8xi32, #tpu.memory_space<hbm>>
      %dma_start3A_100 = tpu.memref_slice %arg4[%mul3A_2] : memref<256xi32, #tpu.memory_space<hbm>> -> memref<8xi32, #tpu.memory_space<hbm>>
      tpu.enqueue_dma source(%dma_start3A_100 : memref<8xi32, #tpu.memory_space<hbm>>) target(%arg8 : memref<8xi32, #tpu.memory_space<vmem>>) target_semaphore(%run_scoped3A : memref<!tpu.dma_semaphore, #tpu.memory_space<semaphore_mem>>)
      %dma_wait3A_101 = tpu.memref_slice %arg4[%mul3A_2] : memref<256xi32, #tpu.memory_space<hbm>> -> memref<8xi32, #tpu.memory_space<hbm>>
      %dma_wait3A_102 = tpu.memref_slice %arg4[%mul3A_2] : memref<256xi32, #tpu.memory_space<hbm>> -> memref<8xi32, #tpu.memory_space<hbm>>
      tpu.wait_dma2 semaphore(%run_scoped3A : memref<!tpu.dma_semaphore, #tpu.memory_space<semaphore_mem>>) src(%dma_wait3A_102 : memref<8xi32, #tpu.memory_space<hbm>>) dst(%arg8 : memref<8xi32, #tpu.memory_space<vmem>>)
      tpu.yield
    }) : () -> ()
    %dma_start3A = arith.constant 0 : i32
    %dma_start3A_3 = arith.constant 0 : i32
    %dma_start3A_4 = tpu.memref_slice %arg2[%dma_start3A, %dma_start3A_3] : memref<8192x1024xf32, #tpu.memory_space<hbm>> -> memref<8192x1024xf32, #tpu.memory_space<hbm>>
    tpu.enqueue_indirect_dma source(%dma_start3A_4 : memref<8192x1024xf32, #tpu.memory_space<hbm>>) target(%arg10 : memref<8x1024xf32, #tpu.memory_space<vmem>>) offsets(%arg8 : memref<8xi32, #tpu.memory_space<vmem>>) semaphore(%arg12 : memref<!tpu.dma_semaphore, #tpu.memory_space<semaphore_mem>>)
    %dma_start3A_5 = arith.constant 0 : i32
    %dma_start3A_6 = arith.constant 0 : i32
    %dma_start3A_7 = tpu.memref_slice %arg3[%dma_start3A_5, %dma_start3A_6] : memref<8192x1024xf32, #tpu.memory_space<hbm>> -> memref<8192x1024xf32, #tpu.memory_space<hbm>>
    tpu.enqueue_indirect_dma source(%dma_start3A_7 : memref<8192x1024xf32, #tpu.memory_space<hbm>>) target(%arg11 : memref<8x1024xf32, #tpu.memory_space<vmem>>) offsets(%arg8 : memref<8xi32, #tpu.memory_space<vmem>>) semaphore(%arg12 : memref<!tpu.dma_semaphore, #tpu.memory_space<semaphore_mem>>)
    "tpu.region"() ({
      %run_scoped3A = tpu.sem_alloc : memref<!tpu.dma_semaphore, #tpu.memory_space<semaphore_mem>>
      %dma_start3A_99 = arith.constant 0 : i32
      %dma_start3A_100 = tpu.memref_slice %arg5[%mul3A_2, %dma_start3A_99] : memref<256x16xf32, #tpu.memory_space<hbm>> -> memref<8x16xf32, #tpu.memory_space<hbm>>
      %dma_start3A_101 = arith.constant 0 : i32
      %dma_start3A_102 = tpu.memref_slice %arg5[%mul3A_2, %dma_start3A_101] : memref<256x16xf32, #tpu.memory_space<hbm>> -> memref<8x16xf32, #tpu.memory_space<hbm>>
      tpu.enqueue_dma source(%dma_start3A_102 : memref<8x16xf32, #tpu.memory_space<hbm>>) target(%arg9 : memref<8x16xf32, #tpu.memory_space<vmem>>) target_semaphore(%run_scoped3A : memref<!tpu.dma_semaphore, #tpu.memory_space<semaphore_mem>>)
      %dma_wait3A_103 = arith.constant 0 : i32
      %dma_wait3A_104 = tpu.memref_slice %arg5[%mul3A_2, %dma_wait3A_103] : memref<256x16xf32, #tpu.memory_space<hbm>> -> memref<8x16xf32, #tpu.memory_space<hbm>>
      %dma_wait3A_105 = arith.constant 0 : i32
      %dma_wait3A_106 = tpu.memref_slice %arg5[%mul3A_2, %dma_wait3A_105] : memref<256x16xf32, #tpu.memory_space<hbm>> -> memref<8x16xf32, #tpu.memory_space<hbm>>
      tpu.wait_dma2 semaphore(%run_scoped3A : memref<!tpu.dma_semaphore, #tpu.memory_space<semaphore_mem>>) src(%dma_wait3A_106 : memref<8x16xf32, #tpu.memory_space<hbm>>) dst(%arg9 : memref<8x16xf32, #tpu.memory_space<vmem>>)
      tpu.yield
    }) : () -> ()
    %dma_wait3A = arith.constant 0 : i32
    %dma_wait3A_8 = arith.constant 0 : i32
    %dma_wait3A_9 = tpu.memref_slice %arg2[%dma_wait3A, %dma_wait3A_8] : memref<8192x1024xf32, #tpu.memory_space<hbm>> -> memref<8192x1024xf32, #tpu.memory_space<hbm>>
    tpu.wait_indirect_dma semaphore(%arg12 : memref<!tpu.dma_semaphore, #tpu.memory_space<semaphore_mem>>) src(%dma_wait3A_9 : memref<8192x1024xf32, #tpu.memory_space<hbm>>) dst(%arg10 : memref<8x1024xf32, #tpu.memory_space<vmem>>)
    %dma_wait3A_10 = arith.constant 0 : i32
    %dma_wait3A_11 = arith.constant 0 : i32
    %dma_wait3A_12 = tpu.memref_slice %arg3[%dma_wait3A_10, %dma_wait3A_11] : memref<8192x1024xf32, #tpu.memory_space<hbm>> -> memref<8192x1024xf32, #tpu.memory_space<hbm>>
    tpu.wait_indirect_dma semaphore(%arg12 : memref<!tpu.dma_semaphore, #tpu.memory_space<semaphore_mem>>) src(%dma_wait3A_12 : memref<8192x1024xf32, #tpu.memory_space<hbm>>) dst(%arg11 : memref<8x1024xf32, #tpu.memory_space<vmem>>)
    %get3A = arith.constant 0 : i32
    %get3A_13 = arith.index_cast %get3A : i32 to index
    %get3A_14 = arith.constant 0 : index
    %get3A_15 = tpu.vector_load %arg9[%get3A_13, %get3A_14] {strides = array<i32>} : memref<8x16xf32, #tpu.memory_space<vmem>>, vector<1x16xf32>,
    %get3A_16 = vector.shape_cast %get3A_15 : vector<1x16xf32> to vector<16xf32>
    %scan3A = arith.constant 0 : i32
    %scan3A_17 = arith.constant 0 : i32
    %scan3A_18 = arith.constant 64 : i32
    %scan3A_19 = arith.addi %scan3A_17, %scan3A_18 : i32
    %scan3A_20 = arith.constant 1 : i32
    scf.for %scan3A_99 = %scan3A_17 to %scan3A_19 step %scan3A_20  : i32 {
      %mul3A_100 = arith.constant 16 : i32
      %mul3A_101 = arith.muli %scan3A_99, %mul3A_100 : i32
      %multiple_of3A = tpu.assume_multiple %mul3A_101, 16 : i32
      %get3A_102 = arith.constant 0 : i32
      %get3A_103 = arith.index_cast %get3A_102 : i32 to index
      %get3A_104 = arith.index_cast %multiple_of3A : i32 to index
      %get3A_105 = tpu.vector_load %arg10[%get3A_103, %get3A_104] {strides = array<i32>} : memref<8x1024xf32, #tpu.memory_space<vmem>>, vector<1x16xf32>,
      %get3A_106 = vector.shape_cast %get3A_105 : vector<1x16xf32> to vector<16xf32>
      %mul3A_107 = arith.mulf %get3A_106, %get3A_16 : vector<16xf32>
      %swap3A = arith.constant 0 : i32
      %swap3A_108 = arith.index_cast %swap3A : i32 to index
      %swap3A_109 = arith.index_cast %multiple_of3A : i32 to index
      %swap3A_110 = tpu.vector_load %arg10[%swap3A_108, %swap3A_109] {strides = array<i32>} : memref<8x1024xf32, #tpu.memory_space<vmem>>, vector<1x16xf32>,
      %swap3A_111 = vector.shape_cast %swap3A_110 : vector<1x16xf32> to vector<16xf32>
      %swap3A_112 = vector.shape_cast %mul3A_107 : vector<16xf32> to vector<1x16xf32>
      tpu.vector_store %arg10[%swap3A_108, %swap3A_109], %swap3A_112 {strides = array<i32>} : memref<8x1024xf32, #tpu.memory_space<vmem>>, vector<1x16xf32>,
      %get3A_113 = arith.constant 0 : i32
      %get3A_114 = arith.index_cast %get3A_113 : i32 to index
      %get3A_115 = arith.index_cast %multiple_of3A : i32 to index
      %get3A_116 = tpu.vector_load %arg11[%get3A_114, %get3A_115] {strides = array<i32>} : memref<8x1024xf32, #tpu.memory_space<vmem>>, vector<1x16xf32>,
      %get3A_117 = vector.shape_cast %get3A_116 : vector<1x16xf32> to vector<16xf32>
      %mul3A_118 = arith.mulf %get3A_117, %get3A_16 : vector<16xf32>
      %swap3A_119 = arith.constant 0 : i32
      %swap3A_120 = arith.index_cast %swap3A_119 : i32 to index
      %swap3A_121 = arith.index_cast %multiple_of3A : i32 to index
      %swap3A_122 = tpu.vector_load %arg11[%swap3A_120, %swap3A_121] {strides = array<i32>} : memref<8x1024xf32, #tpu.memory_space<vmem>>, vector<1x16xf32>,
      %swap3A_123 = vector.shape_cast %swap3A_122 : vector<1x16xf32> to vector<16xf32>
      %swap3A_124 = vector.shape_cast %mul3A_118 : vector<16xf32> to vector<1x16xf32>
      tpu.vector_store %arg11[%swap3A_120, %swap3A_121], %swap3A_124 {strides = array<i32>} : memref<8x1024xf32, #tpu.memory_space<vmem>>, vector<1x16xf32>,
    }
    %scan3A_21 = arith.constant 64 : i32
    %get3A_22 = arith.constant 1 : i32
    %get3A_23 = arith.index_cast %get3A_22 : i32 to index
    %get3A_24 = arith.constant 0 : index
    %get3A_25 = tpu.vector_load %arg9[%get3A_23, %get3A_24] {strides = array<i32>} : memref<8x16xf32, #tpu.memory_space<vmem>>, vector<1x16xf32>,
    %get3A_26 = vector.shape_cast %get3A_25 : vector<1x16xf32> to vector<16xf32>
    %scan3A_27 = arith.constant 0 : i32
    %scan3A_28 = arith.constant 0 : i32
    %scan3A_29 = arith.constant 64 : i32
    %scan3A_30 = arith.addi %scan3A_28, %scan3A_29 : i32
    %scan3A_31 = arith.constant 1 : i32
    scf.for %scan3A_99 = %scan3A_28 to %scan3A_30 step %scan3A_31  : i32 {
      %mul3A_100 = arith.constant 16 : i32
      %mul3A_101 = arith.muli %scan3A_99, %mul3A_100 : i32
      %multiple_of3A = tpu.assume_multiple %mul3A_101, 16 : i32
      %get3A_102 = arith.constant 1 : i32
      %get3A_103 = arith.index_cast %get3A_102 : i32 to index
      %get3A_104 = arith.index_cast %multiple_of3A : i32 to index
      %get3A_105 = tpu.vector_load %arg10[%get3A_103, %get3A_104] {strides = array<i32>} : memref<8x1024xf32, #tpu.memory_space<vmem>>, vector<1x16xf32>,
      %get3A_106 = vector.shape_cast %get3A_105 : vector<1x16xf32> to vector<16xf32>
      %mul3A_107 = arith.mulf %get3A_106, %get3A_26 : vector<16xf32>
      %swap3A = arith.constant 1 : i32
      %swap3A_108 = arith.index_cast %swap3A : i32 to index
      %swap3A_109 = arith.index_cast %multiple_of3A : i32 to index
      %swap3A_110 = tpu.vector_load %arg10[%swap3A_108, %swap3A_109] {strides = array<i32>} : memref<8x1024xf32, #tpu.memory_space<vmem>>, vector<1x16xf32>,
      %swap3A_111 = vector.shape_cast %swap3A_110 : vector<1x16xf32> to vector<16xf32>
      %swap3A_112 = vector.shape_cast %mul3A_107 : vector<16xf32> to vector<1x16xf32>
      tpu.vector_store %arg10[%swap3A_108, %swap3A_109], %swap3A_112 {strides = array<i32>} : memref<8x1024xf32, #tpu.memory_space<vmem>>, vector<1x16xf32>,
      %get3A_113 = arith.constant 1 : i32
      %get3A_114 = arith.index_cast %get3A_113 : i32 to index
      %get3A_115 = arith.index_cast %multiple_of3A : i32 to index
      %get3A_116 = tpu.vector_load %arg11[%get3A_114, %get3A_115] {strides = array<i32>} : memref<8x1024xf32, #tpu.memory_space<vmem>>, vector<1x16xf32>,
      %get3A_117 = vector.shape_cast %get3A_116 : vector<1x16xf32> to vector<16xf32>
      %mul3A_118 = arith.mulf %get3A_117, %get3A_26 : vector<16xf32>
      %swap3A_119 = arith.constant 1 : i32
      %swap3A_120 = arith.index_cast %swap3A_119 : i32 to index
      %swap3A_121 = arith.index_cast %multiple_of3A : i32 to index
      %swap3A_122 = tpu.vector_load %arg11[%swap3A_120, %swap3A_121] {strides = array<i32>} : memref<8x1024xf32, #tpu.memory_space<vmem>>, vector<1x16xf32>,
      %swap3A_123 = vector.shape_cast %swap3A_122 : vector<1x16xf32> to vector<16xf32>
      %swap3A_124 = vector.shape_cast %mul3A_118 : vector<16xf32> to vector<1x16xf32>
      tpu.vector_store %arg11[%swap3A_120, %swap3A_121], %swap3A_124 {strides = array<i32>} : memref<8x1024xf32, #tpu.memory_space<vmem>>, vector<1x16xf32>,
    }
    %scan3A_32 = arith.constant 64 : i32
    %get3A_33 = arith.constant 2 : i32
    %get3A_34 = arith.index_cast %get3A_33 : i32 to index
    %get3A_35 = arith.constant 0 : index
    %get3A_36 = tpu.vector_load %arg9[%get3A_34, %get3A_35] {strides = array<i32>} : memref<8x16xf32, #tpu.memory_space<vmem>>, vector<1x16xf32>,
    %get3A_37 = vector.shape_cast %get3A_36 : vector<1x16xf32> to vector<16xf32>
    %scan3A_38 = arith.constant 0 : i32
    %scan3A_39 = arith.constant 0 : i32
    %scan3A_40 = arith.constant 64 : i32
    %scan3A_41 = arith.addi %scan3A_39, %scan3A_40 : i32
    %scan3A_42 = arith.constant 1 : i32
    scf.for %scan3A_99 = %scan3A_39 to %scan3A_41 step %scan3A_42  : i32 {
      %mul3A_100 = arith.constant 16 : i32
      %mul3A_101 = arith.muli %scan3A_99, %mul3A_100 : i32
      %multiple_of3A = tpu.assume_multiple %mul3A_101, 16 : i32
      %get3A_102 = arith.constant 2 : i32
      %get3A_103 = arith.index_cast %get3A_102 : i32 to index
      %get3A_104 = arith.index_cast %multiple_of3A : i32 to index
      %get3A_105 = tpu.vector_load %arg10[%get3A_103, %get3A_104] {strides = array<i32>} : memref<8x1024xf32, #tpu.memory_space<vmem>>, vector<1x16xf32>,
      %get3A_106 = vector.shape_cast %get3A_105 : vector<1x16xf32> to vector<16xf32>
      %mul3A_107 = arith.mulf %get3A_106, %get3A_37 : vector<16xf32>
      %swap3A = arith.constant 2 : i32
      %swap3A_108 = arith.index_cast %swap3A : i32 to index
      %swap3A_109 = arith.index_cast %multiple_of3A : i32 to index
      %swap3A_110 = tpu.vector_load %arg10[%swap3A_108, %swap3A_109] {strides = array<i32>} : memref<8x1024xf32, #tpu.memory_space<vmem>>, vector<1x16xf32>,
      %swap3A_111 = vector.shape_cast %swap3A_110 : vector<1x16xf32> to vector<16xf32>
      %swap3A_112 = vector.shape_cast %mul3A_107 : vector<16xf32> to vector<1x16xf32>
      tpu.vector_store %arg10[%swap3A_108, %swap3A_109], %swap3A_112 {strides = array<i32>} : memref<8x1024xf32, #tpu.memory_space<vmem>>, vector<1x16xf32>,
      %get3A_113 = arith.constant 2 : i32
      %get3A_114 = arith.index_cast %get3A_113 : i32 to index
      %get3A_115 = arith.index_cast %multiple_of3A : i32 to index
      %get3A_116 = tpu.vector_load %arg11[%get3A_114, %get3A_115] {strides = array<i32>} : memref<8x1024xf32, #tpu.memory_space<vmem>>, vector<1x16xf32>,
      %get3A_117 = vector.shape_cast %get3A_116 : vector<1x16xf32> to vector<16xf32>
      %mul3A_118 = arith.mulf %get3A_117, %get3A_37 : vector<16xf32>
      %swap3A_119 = arith.constant 2 : i32
      %swap3A_120 = arith.index_cast %swap3A_119 : i32 to index
      %swap3A_121 = arith.index_cast %multiple_of3A : i32 to index
      %swap3A_122 = tpu.vector_load %arg11[%swap3A_120, %swap3A_121] {strides = array<i32>} : memref<8x1024xf32, #tpu.memory_space<vmem>>, vector<1x16xf32>,
      %swap3A_123 = vector.shape_cast %swap3A_122 : vector<1x16xf32> to vector<16xf32>
      %swap3A_124 = vector.shape_cast %mul3A_118 : vector<16xf32> to vector<1x16xf32>
      tpu.vector_store %arg11[%swap3A_120, %swap3A_121], %swap3A_124 {strides = array<i32>} : memref<8x1024xf32, #tpu.memory_space<vmem>>, vector<1x16xf32>,
    }
    %scan3A_43 = arith.constant 64 : i32
    %get3A_44 = arith.constant 3 : i32
    %get3A_45 = arith.index_cast %get3A_44 : i32 to index
    %get3A_46 = arith.constant 0 : index
    %get3A_47 = tpu.vector_load %arg9[%get3A_45, %get3A_46] {strides = array<i32>} : memref<8x16xf32, #tpu.memory_space<vmem>>, vector<1x16xf32>,
    %get3A_48 = vector.shape_cast %get3A_47 : vector<1x16xf32> to vector<16xf32>
    %scan3A_49 = arith.constant 0 : i32
    %scan3A_50 = arith.constant 0 : i32
    %scan3A_51 = arith.constant 64 : i32
    %scan3A_52 = arith.addi %scan3A_50, %scan3A_51 : i32
    %scan3A_53 = arith.constant 1 : i32
    scf.for %scan3A_99 = %scan3A_50 to %scan3A_52 step %scan3A_53  : i32 {
      %mul3A_100 = arith.constant 16 : i32
      %mul3A_101 = arith.muli %scan3A_99, %mul3A_100 : i32
      %multiple_of3A = tpu.assume_multiple %mul3A_101, 16 : i32
      %get3A_102 = arith.constant 3 : i32
      %get3A_103 = arith.index_cast %get3A_102 : i32 to index
      %get3A_104 = arith.index_cast %multiple_of3A : i32 to index
      %get3A_105 = tpu.vector_load %arg10[%get3A_103, %get3A_104] {strides = array<i32>} : memref<8x1024xf32, #tpu.memory_space<vmem>>, vector<1x16xf32>,
      %get3A_106 = vector.shape_cast %get3A_105 : vector<1x16xf32> to vector<16xf32>
      %mul3A_107 = arith.mulf %get3A_106, %get3A_48 : vector<16xf32>
      %swap3A = arith.constant 3 : i32
      %swap3A_108 = arith.index_cast %swap3A : i32 to index
      %swap3A_109 = arith.index_cast %multiple_of3A : i32 to index
      %swap3A_110 = tpu.vector_load %arg10[%swap3A_108, %swap3A_109] {strides = array<i32>} : memref<8x1024xf32, #tpu.memory_space<vmem>>, vector<1x16xf32>,
      %swap3A_111 = vector.shape_cast %swap3A_110 : vector<1x16xf32> to vector<16xf32>
      %swap3A_112 = vector.shape_cast %mul3A_107 : vector<16xf32> to vector<1x16xf32>
      tpu.vector_store %arg10[%swap3A_108, %swap3A_109], %swap3A_112 {strides = array<i32>} : memref<8x1024xf32, #tpu.memory_space<vmem>>, vector<1x16xf32>,
      %get3A_113 = arith.constant 3 : i32
      %get3A_114 = arith.index_cast %get3A_113 : i32 to index
      %get3A_115 = arith.index_cast %multiple_of3A : i32 to index
      %get3A_116 = tpu.vector_load %arg11[%get3A_114, %get3A_115] {strides = array<i32>} : memref<8x1024xf32, #tpu.memory_space<vmem>>, vector<1x16xf32>,
      %get3A_117 = vector.shape_cast %get3A_116 : vector<1x16xf32> to vector<16xf32>
      %mul3A_118 = arith.mulf %get3A_117, %get3A_48 : vector<16xf32>
      %swap3A_119 = arith.constant 3 : i32
      %swap3A_120 = arith.index_cast %swap3A_119 : i32 to index
      %swap3A_121 = arith.index_cast %multiple_of3A : i32 to index
      %swap3A_122 = tpu.vector_load %arg11[%swap3A_120, %swap3A_121] {strides = array<i32>} : memref<8x1024xf32, #tpu.memory_space<vmem>>, vector<1x16xf32>,
      %swap3A_123 = vector.shape_cast %swap3A_122 : vector<1x16xf32> to vector<16xf32>
      %swap3A_124 = vector.shape_cast %mul3A_118 : vector<16xf32> to vector<1x16xf32>
      tpu.vector_store %arg11[%swap3A_120, %swap3A_121], %swap3A_124 {strides = array<i32>} : memref<8x1024xf32, #tpu.memory_space<vmem>>, vector<1x16xf32>,
    }
    %scan3A_54 = arith.constant 64 : i32
    %get3A_55 = arith.constant 4 : i32
    %get3A_56 = arith.index_cast %get3A_55 : i32 to index
    %get3A_57 = arith.constant 0 : index
    %get3A_58 = tpu.vector_load %arg9[%get3A_56, %get3A_57] {strides = array<i32>} : memref<8x16xf32, #tpu.memory_space<vmem>>, vector<1x16xf32>,
    %get3A_59 = vector.shape_cast %get3A_58 : vector<1x16xf32> to vector<16xf32>
    %scan3A_60 = arith.constant 0 : i32
    %scan3A_61 = arith.constant 0 : i32
    %scan3A_62 = arith.constant 64 : i32
    %scan3A_63 = arith.addi %scan3A_61, %scan3A_62 : i32
    %scan3A_64 = arith.constant 1 : i32
    scf.for %scan3A_99 = %scan3A_61 to %scan3A_63 step %scan3A_64  : i32 {
      %mul3A_100 = arith.constant 16 : i32
      %mul3A_101 = arith.muli %scan3A_99, %mul3A_100 : i32
      %multiple_of3A = tpu.assume_multiple %mul3A_101, 16 : i32
      %get3A_102 = arith.constant 4 : i32
      %get3A_103 = arith.index_cast %get3A_102 : i32 to index
      %get3A_104 = arith.index_cast %multiple_of3A : i32 to index
      %get3A_105 = tpu.vector_load %arg10[%get3A_103, %get3A_104] {strides = array<i32>} : memref<8x1024xf32, #tpu.memory_space<vmem>>, vector<1x16xf32>,
      %get3A_106 = vector.shape_cast %get3A_105 : vector<1x16xf32> to vector<16xf32>
      %mul3A_107 = arith.mulf %get3A_106, %get3A_59 : vector<16xf32>
      %swap3A = arith.constant 4 : i32
      %swap3A_108 = arith.index_cast %swap3A : i32 to index
      %swap3A_109 = arith.index_cast %multiple_of3A : i32 to index
      %swap3A_110 = tpu.vector_load %arg10[%swap3A_108, %swap3A_109] {strides = array<i32>} : memref<8x1024xf32, #tpu.memory_space<vmem>>, vector<1x16xf32>,
      %swap3A_111 = vector.shape_cast %swap3A_110 : vector<1x16xf32> to vector<16xf32>
      %swap3A_112 = vector.shape_cast %mul3A_107 : vector<16xf32> to vector<1x16xf32>
      tpu.vector_store %arg10[%swap3A_108, %swap3A_109], %swap3A_112 {strides = array<i32>} : memref<8x1024xf32, #tpu.memory_space<vmem>>, vector<1x16xf32>,
      %get3A_113 = arith.constant 4 : i32
      %get3A_114 = arith.index_cast %get3A_113 : i32 to index
      %get3A_115 = arith.index_cast %multiple_of3A : i32 to index
      %get3A_116 = tpu.vector_load %arg11[%get3A_114, %get3A_115] {strides = array<i32>} : memref<8x1024xf32, #tpu.memory_space<vmem>>, vector<1x16xf32>,
      %get3A_117 = vector.shape_cast %get3A_116 : vector<1x16xf32> to vector<16xf32>
      %mul3A_118 = arith.mulf %get3A_117, %get3A_59 : vector<16xf32>
      %swap3A_119 = arith.constant 4 : i32
      %swap3A_120 = arith.index_cast %swap3A_119 : i32 to index
      %swap3A_121 = arith.index_cast %multiple_of3A : i32 to index
      %swap3A_122 = tpu.vector_load %arg11[%swap3A_120, %swap3A_121] {strides = array<i32>} : memref<8x1024xf32, #tpu.memory_space<vmem>>, vector<1x16xf32>,
      %swap3A_123 = vector.shape_cast %swap3A_122 : vector<1x16xf32> to vector<16xf32>
      %swap3A_124 = vector.shape_cast %mul3A_118 : vector<16xf32> to vector<1x16xf32>
      tpu.vector_store %arg11[%swap3A_120, %swap3A_121], %swap3A_124 {strides = array<i32>} : memref<8x1024xf32, #tpu.memory_space<vmem>>, vector<1x16xf32>,
    }
    %scan3A_65 = arith.constant 64 : i32
    %get3A_66 = arith.constant 5 : i32
    %get3A_67 = arith.index_cast %get3A_66 : i32 to index
    %get3A_68 = arith.constant 0 : index
    %get3A_69 = tpu.vector_load %arg9[%get3A_67, %get3A_68] {strides = array<i32>} : memref<8x16xf32, #tpu.memory_space<vmem>>, vector<1x16xf32>,
    %get3A_70 = vector.shape_cast %get3A_69 : vector<1x16xf32> to vector<16xf32>
    %scan3A_71 = arith.constant 0 : i32
    %scan3A_72 = arith.constant 0 : i32
    %scan3A_73 = arith.constant 64 : i32
    %scan3A_74 = arith.addi %scan3A_72, %scan3A_73 : i32
    %scan3A_75 = arith.constant 1 : i32
    scf.for %scan3A_99 = %scan3A_72 to %scan3A_74 step %scan3A_75  : i32 {
      %mul3A_100 = arith.constant 16 : i32
      %mul3A_101 = arith.muli %scan3A_99, %mul3A_100 : i32
      %multiple_of3A = tpu.assume_multiple %mul3A_101, 16 : i32
      %get3A_102 = arith.constant 5 : i32
      %get3A_103 = arith.index_cast %get3A_102 : i32 to index
      %get3A_104 = arith.index_cast %multiple_of3A : i32 to index
      %get3A_105 = tpu.vector_load %arg10[%get3A_103, %get3A_104] {strides = array<i32>} : memref<8x1024xf32, #tpu.memory_space<vmem>>, vector<1x16xf32>,
      %get3A_106 = vector.shape_cast %get3A_105 : vector<1x16xf32> to vector<16xf32>
      %mul3A_107 = arith.mulf %get3A_106, %get3A_70 : vector<16xf32>
      %swap3A = arith.constant 5 : i32
      %swap3A_108 = arith.index_cast %swap3A : i32 to index
      %swap3A_109 = arith.index_cast %multiple_of3A : i32 to index
      %swap3A_110 = tpu.vector_load %arg10[%swap3A_108, %swap3A_109] {strides = array<i32>} : memref<8x1024xf32, #tpu.memory_space<vmem>>, vector<1x16xf32>,
      %swap3A_111 = vector.shape_cast %swap3A_110 : vector<1x16xf32> to vector<16xf32>
      %swap3A_112 = vector.shape_cast %mul3A_107 : vector<16xf32> to vector<1x16xf32>
      tpu.vector_store %arg10[%swap3A_108, %swap3A_109], %swap3A_112 {strides = array<i32>} : memref<8x1024xf32, #tpu.memory_space<vmem>>, vector<1x16xf32>,
      %get3A_113 = arith.constant 5 : i32
      %get3A_114 = arith.index_cast %get3A_113 : i32 to index
      %get3A_115 = arith.index_cast %multiple_of3A : i32 to index
      %get3A_116 = tpu.vector_load %arg11[%get3A_114, %get3A_115] {strides = array<i32>} : memref<8x1024xf32, #tpu.memory_space<vmem>>, vector<1x16xf32>,
      %get3A_117 = vector.shape_cast %get3A_116 : vector<1x16xf32> to vector<16xf32>
      %mul3A_118 = arith.mulf %get3A_117, %get3A_70 : vector<16xf32>
      %swap3A_119 = arith.constant 5 : i32
      %swap3A_120 = arith.index_cast %swap3A_119 : i32 to index
      %swap3A_121 = arith.index_cast %multiple_of3A : i32 to index
      %swap3A_122 = tpu.vector_load %arg11[%swap3A_120, %swap3A_121] {strides = array<i32>} : memref<8x1024xf32, #tpu.memory_space<vmem>>, vector<1x16xf32>,
      %swap3A_123 = vector.shape_cast %swap3A_122 : vector<1x16xf32> to vector<16xf32>
      %swap3A_124 = vector.shape_cast %mul3A_118 : vector<16xf32> to vector<1x16xf32>
      tpu.vector_store %arg11[%swap3A_120, %swap3A_121], %swap3A_124 {strides = array<i32>} : memref<8x1024xf32, #tpu.memory_space<vmem>>, vector<1x16xf32>,
    }
    %scan3A_76 = arith.constant 64 : i32
    %get3A_77 = arith.constant 6 : i32
    %get3A_78 = arith.index_cast %get3A_77 : i32 to index
    %get3A_79 = arith.constant 0 : index
    %get3A_80 = tpu.vector_load %arg9[%get3A_78, %get3A_79] {strides = array<i32>} : memref<8x16xf32, #tpu.memory_space<vmem>>, vector<1x16xf32>,
    %get3A_81 = vector.shape_cast %get3A_80 : vector<1x16xf32> to vector<16xf32>
    %scan3A_82 = arith.constant 0 : i32
    %scan3A_83 = arith.constant 0 : i32
    %scan3A_84 = arith.constant 64 : i32
    %scan3A_85 = arith.addi %scan3A_83, %scan3A_84 : i32
    %scan3A_86 = arith.constant 1 : i32
    scf.for %scan3A_99 = %scan3A_83 to %scan3A_85 step %scan3A_86  : i32 {
      %mul3A_100 = arith.constant 16 : i32
      %mul3A_101 = arith.muli %scan3A_99, %mul3A_100 : i32
      %multiple_of3A = tpu.assume_multiple %mul3A_101, 16 : i32
      %get3A_102 = arith.constant 6 : i32
      %get3A_103 = arith.index_cast %get3A_102 : i32 to index
      %get3A_104 = arith.index_cast %multiple_of3A : i32 to index
      %get3A_105 = tpu.vector_load %arg10[%get3A_103, %get3A_104] {strides = array<i32>} : memref<8x1024xf32, #tpu.memory_space<vmem>>, vector<1x16xf32>,
      %get3A_106 = vector.shape_cast %get3A_105 : vector<1x16xf32> to vector<16xf32>
      %mul3A_107 = arith.mulf %get3A_106, %get3A_81 : vector<16xf32>
      %swap3A = arith.constant 6 : i32
      %swap3A_108 = arith.index_cast %swap3A : i32 to index
      %swap3A_109 = arith.index_cast %multiple_of3A : i32 to index
      %swap3A_110 = tpu.vector_load %arg10[%swap3A_108, %swap3A_109] {strides = array<i32>} : memref<8x1024xf32, #tpu.memory_space<vmem>>, vector<1x16xf32>,
      %swap3A_111 = vector.shape_cast %swap3A_110 : vector<1x16xf32> to vector<16xf32>
      %swap3A_112 = vector.shape_cast %mul3A_107 : vector<16xf32> to vector<1x16xf32>
      tpu.vector_store %arg10[%swap3A_108, %swap3A_109], %swap3A_112 {strides = array<i32>} : memref<8x1024xf32, #tpu.memory_space<vmem>>, vector<1x16xf32>,
      %get3A_113 = arith.constant 6 : i32
      %get3A_114 = arith.index_cast %get3A_113 : i32 to index
      %get3A_115 = arith.index_cast %multiple_of3A : i32 to index
      %get3A_116 = tpu.vector_load %arg11[%get3A_114, %get3A_115] {strides = array<i32>} : memref<8x1024xf32, #tpu.memory_space<vmem>>, vector<1x16xf32>,
      %get3A_117 = vector.shape_cast %get3A_116 : vector<1x16xf32> to vector<16xf32>
      %mul3A_118 = arith.mulf %get3A_117, %get3A_81 : vector<16xf32>
      %swap3A_119 = arith.constant 6 : i32
      %swap3A_120 = arith.index_cast %swap3A_119 : i32 to index
      %swap3A_121 = arith.index_cast %multiple_of3A : i32 to index
      %swap3A_122 = tpu.vector_load %arg11[%swap3A_120, %swap3A_121] {strides = array<i32>} : memref<8x1024xf32, #tpu.memory_space<vmem>>, vector<1x16xf32>,
      %swap3A_123 = vector.shape_cast %swap3A_122 : vector<1x16xf32> to vector<16xf32>
      %swap3A_124 = vector.shape_cast %mul3A_118 : vector<16xf32> to vector<1x16xf32>
      tpu.vector_store %arg11[%swap3A_120, %swap3A_121], %swap3A_124 {strides = array<i32>} : memref<8x1024xf32, #tpu.memory_space<vmem>>, vector<1x16xf32>,
    }
    %scan3A_87 = arith.constant 64 : i32
    %get3A_88 = arith.constant 7 : i32
    %get3A_89 = arith.index_cast %get3A_88 : i32 to index
    %get3A_90 = arith.constant 0 : index
    %get3A_91 = tpu.vector_load %arg9[%get3A_89, %get3A_90] {strides = array<i32>} : memref<8x16xf32, #tpu.memory_space<vmem>>, vector<1x16xf32>,
    %get3A_92 = vector.shape_cast %get3A_91 : vector<1x16xf32> to vector<16xf32>
    %scan3A_93 = arith.constant 0 : i32
    %scan3A_94 = arith.constant 0 : i32
    %scan3A_95 = arith.constant 64 : i32
    %scan3A_96 = arith.addi %scan3A_94, %scan3A_95 : i32
    %scan3A_97 = arith.constant 1 : i32
    scf.for %scan3A_99 = %scan3A_94 to %scan3A_96 step %scan3A_97  : i32 {
      %mul3A_100 = arith.constant 16 : i32
      %mul3A_101 = arith.muli %scan3A_99, %mul3A_100 : i32
      %multiple_of3A = tpu.assume_multiple %mul3A_101, 16 : i32
      %get3A_102 = arith.constant 7 : i32
      %get3A_103 = arith.index_cast %get3A_102 : i32 to index
      %get3A_104 = arith.index_cast %multiple_of3A : i32 to index
      %get3A_105 = tpu.vector_load %arg10[%get3A_103, %get3A_104] {strides = array<i32>} : memref<8x1024xf32, #tpu.memory_space<vmem>>, vector<1x16xf32>,
      %get3A_106 = vector.shape_cast %get3A_105 : vector<1x16xf32> to vector<16xf32>
      %mul3A_107 = arith.mulf %get3A_106, %get3A_92 : vector<16xf32>
      %swap3A = arith.constant 7 : i32
      %swap3A_108 = arith.index_cast %swap3A : i32 to index
      %swap3A_109 = arith.index_cast %multiple_of3A : i32 to index
      %swap3A_110 = tpu.vector_load %arg10[%swap3A_108, %swap3A_109] {strides = array<i32>} : memref<8x1024xf32, #tpu.memory_space<vmem>>, vector<1x16xf32>,
      %swap3A_111 = vector.shape_cast %swap3A_110 : vector<1x16xf32> to vector<16xf32>
      %swap3A_112 = vector.shape_cast %mul3A_107 : vector<16xf32> to vector<1x16xf32>
      tpu.vector_store %arg10[%swap3A_108, %swap3A_109], %swap3A_112 {strides = array<i32>} : memref<8x1024xf32, #tpu.memory_space<vmem>>, vector<1x16xf32>,
      %get3A_113 = arith.constant 7 : i32
      %get3A_114 = arith.index_cast %get3A_113 : i32 to index
      %get3A_115 = arith.index_cast %multiple_of3A : i32 to index
      %get3A_116 = tpu.vector_load %arg11[%get3A_114, %get3A_115] {strides = array<i32>} : memref<8x1024xf32, #tpu.memory_space<vmem>>, vector<1x16xf32>,
      %get3A_117 = vector.shape_cast %get3A_116 : vector<1x16xf32> to vector<16xf32>
      %mul3A_118 = arith.mulf %get3A_117, %get3A_92 : vector<16xf32>
      %swap3A_119 = arith.constant 7 : i32
      %swap3A_120 = arith.index_cast %swap3A_119 : i32 to index
      %swap3A_121 = arith.index_cast %multiple_of3A : i32 to index
      %swap3A_122 = tpu.vector_load %arg11[%swap3A_120, %swap3A_121] {strides = array<i32>} : memref<8x1024xf32, #tpu.memory_space<vmem>>, vector<1x16xf32>,
      %swap3A_123 = vector.shape_cast %swap3A_122 : vector<1x16xf32> to vector<16xf32>
      %swap3A_124 = vector.shape_cast %mul3A_118 : vector<16xf32> to vector<1x16xf32>
      tpu.vector_store %arg11[%swap3A_120, %swap3A_121], %swap3A_124 {strides = array<i32>} : memref<8x1024xf32, #tpu.memory_space<vmem>>, vector<1x16xf32>,
    }
    %scan3A_98 = arith.constant 64 : i32
    "tpu.region"() ({
      %run_scoped3A = tpu.sem_alloc : memref<!tpu.dma_semaphore, #tpu.memory_space<semaphore_mem>>
      %dma_start3A_99 = arith.constant 0 : i32
      %dma_start3A_100 = tpu.memref_slice %arg6[%mul3A_2, %dma_start3A_99] : memref<256x1024xf32, #tpu.memory_space<hbm>> -> memref<8x1024xf32, #tpu.memory_space<hbm>>
      %dma_start3A_101 = arith.constant 0 : i32
      %dma_start3A_102 = tpu.memref_slice %arg6[%mul3A_2, %dma_start3A_101] : memref<256x1024xf32, #tpu.memory_space<hbm>> -> memref<8x1024xf32, #tpu.memory_space<hbm>>
      tpu.enqueue_dma source(%arg10 : memref<8x1024xf32, #tpu.memory_space<vmem>>) target(%dma_start3A_102 : memref<8x1024xf32, #tpu.memory_space<hbm>>) target_semaphore(%run_scoped3A : memref<!tpu.dma_semaphore, #tpu.memory_space<semaphore_mem>>)
      %dma_wait3A_103 = arith.constant 0 : i32
      %dma_wait3A_104 = tpu.memref_slice %arg6[%mul3A_2, %dma_wait3A_103] : memref<256x1024xf32, #tpu.memory_space<hbm>> -> memref<8x1024xf32, #tpu.memory_space<hbm>>
      %dma_wait3A_105 = arith.constant 0 : i32
      %dma_wait3A_106 = tpu.memref_slice %arg6[%mul3A_2, %dma_wait3A_105] : memref<256x1024xf32, #tpu.memory_space<hbm>> -> memref<8x1024xf32, #tpu.memory_space<hbm>>
      tpu.wait_dma2 semaphore(%run_scoped3A : memref<!tpu.dma_semaphore, #tpu.memory_space<semaphore_mem>>) src(%arg10 : memref<8x1024xf32, #tpu.memory_space<vmem>>) dst(%dma_wait3A_106 : memref<8x1024xf32, #tpu.memory_space<hbm>>)
      tpu.yield
    }) : () -> ()
    "tpu.region"() ({
      %run_scoped3A = tpu.sem_alloc : memref<!tpu.dma_semaphore, #tpu.memory_space<semaphore_mem>>
      %dma_start3A_99 = arith.constant 0 : i32
      %dma_start3A_100 = tpu.memref_slice %arg7[%mul3A_2, %dma_start3A_99] : memref<256x1024xf32, #tpu.memory_space<hbm>> -> memref<8x1024xf32, #tpu.memory_space<hbm>>
      %dma_start3A_101 = arith.constant 0 : i32
      %dma_start3A_102 = tpu.memref_slice %arg7[%mul3A_2, %dma_start3A_101] : memref<256x1024xf32, #tpu.memory_space<hbm>> -> memref<8x1024xf32, #tpu.memory_space<hbm>>
      tpu.enqueue_dma source(%arg11 : memref<8x1024xf32, #tpu.memory_space<vmem>>) target(%dma_start3A_102 : memref<8x1024xf32, #tpu.memory_space<hbm>>) target_semaphore(%run_scoped3A : memref<!tpu.dma_semaphore, #tpu.memory_space<semaphore_mem>>)
      %dma_wait3A_103 = arith.constant 0 : i32
      %dma_wait3A_104 = tpu.memref_slice %arg7[%mul3A_2, %dma_wait3A_103] : memref<256x1024xf32, #tpu.memory_space<hbm>> -> memref<8x1024xf32, #tpu.memory_space<hbm>>
      %dma_wait3A_105 = arith.constant 0 : i32
      %dma_wait3A_106 = tpu.memref_slice %arg7[%mul3A_2, %dma_wait3A_105] : memref<256x1024xf32, #tpu.memory_space<hbm>> -> memref<8x1024xf32, #tpu.memory_space<hbm>>
      tpu.wait_dma2 semaphore(%run_scoped3A : memref<!tpu.dma_semaphore, #tpu.memory_space<semaphore_mem>>) src(%arg11 : memref<8x1024xf32, #tpu.memory_space<vmem>>) dst(%dma_wait3A_106 : memref<8x1024xf32, #tpu.memory_space<hbm>>)
      tpu.yield
    }) : () -> ()
    return
  }
}

module attributes {stable_mosaic.version = 14 : i64} {
  func.func @_router_body(%arg0: i32, %arg1: i32, %arg2: memref<32x4096xf32, #tpu.memory_space<vmem>>, %arg3: memref<4096x64xf32, #tpu.memory_space<vmem>>, %arg4: memref<1x1xf32, #tpu.memory_space<vmem>>, %arg5: memref<4x32x2xi32, #tpu.memory_space<vmem>>, %arg6: memref<4x32x2xf32, #tpu.memory_space<vmem>>, %arg7: memref<4x32x64xf32, #tpu.memory_space<vmem>>) attributes {dimension_semantics = [#tpu.dimension_semantics<arbitrary>, #tpu.dimension_semantics<arbitrary>], iteration_bounds = array<i64: 4, 16>, scalar_prefetch = 0 : i64, scratch_operands = 1 : i64, tpu.core_type = #tpu.core_type<tc>, window_params = [{transform_indices = @transform_0, window_bounds = array<i64: 32, 4096>}, {transform_indices = @transform_1, window_bounds = array<i64: 4096, 64>}, {pipeline_mode = #tpu.pipeline_mode<synchronous>, transform_indices = @transform_2, window_bounds = array<i64: 1, 1>}, {pipeline_mode = #tpu.pipeline_mode<synchronous>, transform_indices = @transform_3, window_bounds = array<i64: 4, 32, 2>}, {pipeline_mode = #tpu.pipeline_mode<synchronous>, transform_indices = @transform_4, window_bounds = array<i64: 4, 32, 2>}]} {
    %eq3A = arith.constant 0 : i32
    %eq3A_0 = arith.cmpi eq, %arg1, %eq3A : i32
    %convert_element_type3A = arith.extui %eq3A_0 : i1 to i32
    %cond3A = arith.constant 0 : i32
    %cond3A_1 = arith.cmpi ne, %convert_element_type3A, %cond3A : i32
    scf.if %cond3A_1 {
      %broadcast_in_dim3A_22 = arith.constant 0.000000e+00 : f32
      %broadcast_in_dim3A_23 = vector.broadcast %broadcast_in_dim3A_22 : f32 to vector<1x32x64xf32>
      %swap3A_24 = arith.index_cast %arg0 : i32 to index
      %swap3A_25 = arith.constant 0 : index
      %swap3A_26 = arith.constant 0 : index
      %swap3A_27 = vector.load %arg7[%swap3A_24, %swap3A_25, %swap3A_26] : memref<4x32x64xf32, #tpu.memory_space<vmem>>, vector<1x32x64xf32>
      tpu.vector_store %arg7[%swap3A_24, %swap3A_25, %swap3A_26], %broadcast_in_dim3A_23 {strides = array<i32>} : memref<4x32x64xf32, #tpu.memory_space<vmem>>, vector<1x32x64xf32>,
    } else {
    }
    %get3A = arith.index_cast %arg0 : i32 to index
    %get3A_2 = arith.constant 0 : index
    %get3A_3 = arith.constant 0 : index
    %get3A_4 = vector.load %arg7[%get3A, %get3A_2, %get3A_3] : memref<4x32x64xf32, #tpu.memory_space<vmem>>, vector<1x32x64xf32>
    %get3A_5 = arith.constant 0 : index
    %get3A_6 = arith.constant 0 : index
    %get3A_7 = vector.load %arg2[%get3A_5, %get3A_6] : memref<32x4096xf32, #tpu.memory_space<vmem>>, vector<32x4096xf32>
    %get3A_8 = arith.constant 0 : index
    %get3A_9 = arith.constant 0 : index
    %get3A_10 = vector.load %arg3[%get3A_8, %get3A_9] : memref<4096x64xf32, #tpu.memory_space<vmem>>, vector<4096x64xf32>
    %dot_general3A = arith.constant dense<0.000000e+00> : vector<32x64xf32>
    %dot_general3A_11 = tpu.matmul %get3A_7, %get3A_10, %dot_general3A {dimension_numbers = #tpu.dot_dimension_numbers<[1], [0], [0], [1], [0, 0, 1, 1], [], []>, transpose_lhs_hint = false} : vector<32x4096xf32>, vector<4096x64xf32>, vector<32x64xf32> -> vector<32x64xf32>
    %broadcast_in_dim3A = vector.shape_cast %dot_general3A_11 : vector<32x64xf32> to vector<1x32x64xf32>
    %add3A = arith.addf %get3A_4, %broadcast_in_dim3A : vector<1x32x64xf32>
    %swap3A = arith.index_cast %arg0 : i32 to index
    %swap3A_12 = arith.constant 0 : index
    %swap3A_13 = arith.constant 0 : index
    %swap3A_14 = vector.load %arg7[%swap3A, %swap3A_12, %swap3A_13] : memref<4x32x64xf32, #tpu.memory_space<vmem>>, vector<1x32x64xf32>
    tpu.vector_store %arg7[%swap3A, %swap3A_12, %swap3A_13], %add3A {strides = array<i32>} : memref<4x32x64xf32, #tpu.memory_space<vmem>>, vector<1x32x64xf32>,
    %eq3A_15 = arith.constant 3 : i32
    %eq3A_16 = arith.cmpi eq, %arg0, %eq3A_15 : i32
    %eq3A_17 = arith.constant 15 : i32
    %eq3A_18 = arith.cmpi eq, %arg1, %eq3A_17 : i32
    %and3A = arith.andi %eq3A_16, %eq3A_18 : i1
    %convert_element_type3A_19 = arith.extui %and3A : i1 to i32
    %cond3A_20 = arith.constant 0 : i32
    %cond3A_21 = arith.cmpi ne, %convert_element_type3A_19, %cond3A_20 : i32
    scf.if %cond3A_21 {
      %get3A_22 = arith.constant 0 : index
      %get3A_23 = arith.constant 0 : index
      %get3A_24 = arith.constant 0 : index
      %get3A_25 = vector.load %arg7[%get3A_22, %get3A_23, %get3A_24] : memref<4x32x64xf32, #tpu.memory_space<vmem>>, vector<4x32x64xf32>
      %reduce_max3A = arith.constant dense<0xFF800000> : vector<4x32xf32>
      %reduce_max3A_26 = vector.multi_reduction <maximumf>, %get3A_25, %reduce_max3A [2] : vector<4x32x64xf32> to vector<4x32xf32>
      %broadcast_in_dim3A_27 = vector.shape_cast %reduce_max3A_26 : vector<4x32xf32> to vector<4x32x1xf32>
      %sub3A = vector.broadcast %broadcast_in_dim3A_27 : vector<4x32x1xf32> to vector<4x32x64xf32>
      %sub3A_28 = arith.subf %get3A_25, %sub3A : vector<4x32x64xf32>
      %exp3A = math.exp %sub3A_28 : vector<4x32x64xf32>
      %reduce_sum3A = arith.constant dense<0.000000e+00> : vector<4x32xf32>
      %reduce_sum3A_29 = vector.multi_reduction <add>, %exp3A, %reduce_sum3A [2] : vector<4x32x64xf32> to vector<4x32xf32>
      %broadcast_in_dim3A_30 = vector.shape_cast %reduce_sum3A_29 : vector<4x32xf32> to vector<4x32x1xf32>
      %div3A = vector.broadcast %broadcast_in_dim3A_30 : vector<4x32x1xf32> to vector<4x32x64xf32>
      %div3A_31 = arith.divf %exp3A, %div3A : vector<4x32x64xf32>
      %iota3A = tpu.iota {dimensions = array<i32: 2>} : vector<4x32x64xi32>
      %reduce_max3A_32 = arith.constant dense<0xFF800000> : vector<4x32xf32>
      %reduce_max3A_33 = vector.multi_reduction <maximumf>, %div3A_31, %reduce_max3A_32 [2] : vector<4x32x64xf32> to vector<4x32xf32>
      %broadcast_in_dim3A_34 = vector.shape_cast %reduce_max3A_33 : vector<4x32xf32> to vector<4x32x1xf32>
      %eq3A_35 = vector.broadcast %broadcast_in_dim3A_34 : vector<4x32x1xf32> to vector<4x32x64xf32>
      %eq3A_36 = arith.cmpf oeq, %div3A_31, %eq3A_35 : vector<4x32x64xf32>
      %jit3A = arith.constant 64 : i32
      %broadcast_in_dim3A_37 = vector.broadcast %jit3A : i32 to vector<4x32x64xi32>
      %select_n3A = arith.select %eq3A_36, %iota3A, %broadcast_in_dim3A_37 : vector<4x32x64xi1>, vector<4x32x64xi32>
      %reduce_min3A = arith.constant dense<2147483647> : vector<4x32xi32>
      %reduce_min3A_38 = vector.multi_reduction <minsi>, %select_n3A, %reduce_min3A [2] : vector<4x32x64xi32> to vector<4x32xi32>
      %broadcast_in_dim3A_39 = vector.shape_cast %reduce_min3A_38 : vector<4x32xi32> to vector<4x32x1xi32>
      %eq3A_40 = vector.broadcast %broadcast_in_dim3A_39 : vector<4x32x1xi32> to vector<4x32x64xi32>
      %eq3A_41 = arith.cmpi eq, %iota3A, %eq3A_40 : vector<4x32x64xi32>
      %jit3A_42 = arith.constant -1.000000e+00 : f32
      %broadcast_in_dim3A_43 = vector.broadcast %jit3A_42 : f32 to vector<4x32x64xf32>
      %select_n3A_44 = arith.select %eq3A_41, %broadcast_in_dim3A_43, %div3A_31 : vector<4x32x64xi1>, vector<4x32x64xf32>
      %reduce_max3A_45 = arith.constant dense<0xFF800000> : vector<4x32xf32>
      %reduce_max3A_46 = vector.multi_reduction <maximumf>, %select_n3A_44, %reduce_max3A_45 [2] : vector<4x32x64xf32> to vector<4x32xf32>
      %broadcast_in_dim3A_47 = vector.shape_cast %reduce_max3A_46 : vector<4x32xf32> to vector<4x32x1xf32>
      %eq3A_48 = vector.broadcast %broadcast_in_dim3A_47 : vector<4x32x1xf32> to vector<4x32x64xf32>
      %eq3A_49 = arith.cmpf oeq, %select_n3A_44, %eq3A_48 : vector<4x32x64xf32>
      %jit3A_50 = arith.constant 64 : i32
      %broadcast_in_dim3A_51 = vector.broadcast %jit3A_50 : i32 to vector<4x32x64xi32>
      %select_n3A_52 = arith.select %eq3A_49, %iota3A, %broadcast_in_dim3A_51 : vector<4x32x64xi1>, vector<4x32x64xi32>
      %reduce_min3A_53 = arith.constant dense<2147483647> : vector<4x32xi32>
      %reduce_min3A_54 = vector.multi_reduction <minsi>, %select_n3A_52, %reduce_min3A_53 [2] : vector<4x32x64xi32> to vector<4x32xi32>
      %broadcast_in_dim3A_55 = vector.shape_cast %reduce_min3A_54 : vector<4x32xi32> to vector<4x32x1xi32>
      %add3A_56 = arith.addf %broadcast_in_dim3A_34, %broadcast_in_dim3A_47 : vector<4x32x1xf32>
      %add3A_57 = arith.constant 9.99999997E-7 : f32
      %add3A_58 = vector.broadcast %add3A_57 : f32 to vector<4x32x1xf32>
      %add3A_59 = arith.addf %add3A_56, %add3A_58 : vector<4x32x1xf32>
      %div3A_60 = arith.divf %broadcast_in_dim3A_34, %add3A_59 : vector<4x32x1xf32>
      %div3A_61 = arith.divf %broadcast_in_dim3A_47, %add3A_59 : vector<4x32x1xf32>
      %convert_element_type3A_62 = arith.extui %eq3A_41 : vector<4x32x64xi1> to vector<4x32x64xi32>
      %convert_element_type3A_63 = arith.sitofp %convert_element_type3A_62 : vector<4x32x64xi32> to vector<4x32x64xf32>
      %eq3A_64 = vector.broadcast %broadcast_in_dim3A_55 : vector<4x32x1xi32> to vector<4x32x64xi32>
      %eq3A_65 = arith.cmpi eq, %iota3A, %eq3A_64 : vector<4x32x64xi32>
      %convert_element_type3A_66 = arith.extui %eq3A_65 : vector<4x32x64xi1> to vector<4x32x64xi32>
      %convert_element_type3A_67 = arith.sitofp %convert_element_type3A_66 : vector<4x32x64xi32> to vector<4x32x64xf32>
      %mul3A = vector.broadcast %div3A_60 : vector<4x32x1xf32> to vector<4x32x64xf32>
      %mul3A_68 = arith.mulf %mul3A, %convert_element_type3A_63 : vector<4x32x64xf32>
      %mul3A_69 = vector.broadcast %div3A_61 : vector<4x32x1xf32> to vector<4x32x64xf32>
      %mul3A_70 = arith.mulf %mul3A_69, %convert_element_type3A_67 : vector<4x32x64xf32>
      %add3A_71 = arith.addf %mul3A_68, %mul3A_70 : vector<4x32x64xf32>
      %reduce_sum3A_72 = arith.constant dense<0.000000e+00> : vector<4x64xf32>
      %reduce_sum3A_73 = vector.multi_reduction <add>, %add3A_71, %reduce_sum3A_72 [1] : vector<4x32x64xf32> to vector<4x64xf32>
      %add3A_74 = arith.addf %convert_element_type3A_63, %convert_element_type3A_67 : vector<4x32x64xf32>
      %reduce_sum3A_75 = arith.constant dense<0.000000e+00> : vector<4x64xf32>
      %reduce_sum3A_76 = vector.multi_reduction <add>, %add3A_74, %reduce_sum3A_75 [1] : vector<4x32x64xf32> to vector<4x64xf32>
      %reduce_sum3A_77 = vector.shape_cast %reduce_sum3A_73 : vector<4x64xf32> to vector<1x4x64xf32>
      %reduce_sum3A_78 = arith.constant dense<0.000000e+00> : vector<1xf32>
      %reduce_sum3A_79 = vector.multi_reduction <add>, %reduce_sum3A_77, %reduce_sum3A_78 [1, 2] : vector<1x4x64xf32> to vector<1xf32>
      %reduce_sum3A_80 = vector.shape_cast %reduce_sum3A_79 : vector<1xf32> to vector<1x1x1xf32>
      %reduce_sum3A_81 = vector.extract %reduce_sum3A_80[0, 0, 0] : f32 from vector<1x1x1xf32>
      %mul3A_82 = arith.mulf %reduce_sum3A_73, %reduce_sum3A_73 : vector<4x64xf32>
      %reduce_sum3A_83 = vector.shape_cast %mul3A_82 : vector<4x64xf32> to vector<1x4x64xf32>
      %reduce_sum3A_84 = arith.constant dense<0.000000e+00> : vector<1xf32>
      %reduce_sum3A_85 = vector.multi_reduction <add>, %reduce_sum3A_83, %reduce_sum3A_84 [1, 2] : vector<1x4x64xf32> to vector<1xf32>
      %reduce_sum3A_86 = vector.shape_cast %reduce_sum3A_85 : vector<1xf32> to vector<1x1x1xf32>
      %reduce_sum3A_87 = vector.extract %reduce_sum3A_86[0, 0, 0] : f32 from vector<1x1x1xf32>
      %div3A_88 = arith.constant 2.560000e+02 : f32
      %div3A_89 = arith.divf %reduce_sum3A_81, %div3A_88 : f32
      %mul3A_90 = arith.constant 2.560000e+02 : f32
      %mul3A_91 = arith.mulf %mul3A_90, %div3A_89 : f32
      %mul3A_92 = arith.mulf %mul3A_91, %div3A_89 : f32
      %sub3A_93 = arith.subf %reduce_sum3A_87, %mul3A_92 : f32
      %div3A_94 = arith.constant 2.550000e+02 : f32
      %div3A_95 = arith.divf %sub3A_93, %div3A_94 : f32
      %mul3A_96 = arith.mulf %div3A_89, %div3A_89 : f32
      %add3A_97 = arith.constant 1.000000e-10 : f32
      %add3A_98 = arith.addf %mul3A_96, %add3A_97 : f32
      %div3A_99 = arith.divf %div3A_95, %add3A_98 : f32
      %reduce_sum3A_100 = vector.shape_cast %reduce_sum3A_76 : vector<4x64xf32> to vector<1x4x64xf32>
      %reduce_sum3A_101 = arith.constant dense<0.000000e+00> : vector<1xf32>
      %reduce_sum3A_102 = vector.multi_reduction <add>, %reduce_sum3A_100, %reduce_sum3A_101 [1, 2] : vector<1x4x64xf32> to vector<1xf32>
      %reduce_sum3A_103 = vector.shape_cast %reduce_sum3A_102 : vector<1xf32> to vector<1x1x1xf32>
      %reduce_sum3A_104 = vector.extract %reduce_sum3A_103[0, 0, 0] : f32 from vector<1x1x1xf32>
      %mul3A_105 = arith.mulf %reduce_sum3A_76, %reduce_sum3A_76 : vector<4x64xf32>
      %reduce_sum3A_106 = vector.shape_cast %mul3A_105 : vector<4x64xf32> to vector<1x4x64xf32>
      %reduce_sum3A_107 = arith.constant dense<0.000000e+00> : vector<1xf32>
      %reduce_sum3A_108 = vector.multi_reduction <add>, %reduce_sum3A_106, %reduce_sum3A_107 [1, 2] : vector<1x4x64xf32> to vector<1xf32>
      %reduce_sum3A_109 = vector.shape_cast %reduce_sum3A_108 : vector<1xf32> to vector<1x1x1xf32>
      %reduce_sum3A_110 = vector.extract %reduce_sum3A_109[0, 0, 0] : f32 from vector<1x1x1xf32>
      %div3A_111 = arith.constant 2.560000e+02 : f32
      %div3A_112 = arith.divf %reduce_sum3A_104, %div3A_111 : f32
      %mul3A_113 = arith.constant 2.560000e+02 : f32
      %mul3A_114 = arith.mulf %mul3A_113, %div3A_112 : f32
      %mul3A_115 = arith.mulf %mul3A_114, %div3A_112 : f32
      %sub3A_116 = arith.subf %reduce_sum3A_110, %mul3A_115 : f32
      %div3A_117 = arith.constant 2.550000e+02 : f32
      %div3A_118 = arith.divf %sub3A_116, %div3A_117 : f32
      %mul3A_119 = arith.mulf %div3A_112, %div3A_112 : f32
      %add3A_120 = arith.constant 1.000000e-10 : f32
      %add3A_121 = arith.addf %mul3A_119, %add3A_120 : f32
      %div3A_122 = arith.divf %div3A_118, %add3A_121 : f32
      %add3A_123 = arith.addf %div3A_99, %div3A_122 : f32
      %mul3A_124 = arith.constant 0.00999999977 : f32
      %mul3A_125 = arith.mulf %add3A_123, %mul3A_124 : f32
      %reshape3A = vector.broadcast %mul3A_125 : f32 to vector<1x1xf32>
      %swap3A_126 = arith.constant 0 : index
      %swap3A_127 = arith.constant 0 : index
      %swap3A_128 = vector.load %arg4[%swap3A_126, %swap3A_127] : memref<1x1xf32, #tpu.memory_space<vmem>>, vector<1x1xf32>
      tpu.vector_store %arg4[%swap3A_126, %swap3A_127], %reshape3A {strides = array<i32>} : memref<1x1xf32, #tpu.memory_space<vmem>>, vector<1x1xf32>,
      %iota3A_129 = tpu.iota {dimensions = array<i32: 0>} : vector<4x32x1xi32>
      %iota3A_130 = tpu.iota {dimensions = array<i32: 1>} : vector<4x32x1xi32>
      %mul3A_131 = arith.constant 256 : i32
      %mul3A_132 = vector.broadcast %mul3A_131 : i32 to vector<4x32x1xi32>
      %mul3A_133 = arith.muli %iota3A_130, %mul3A_132 : vector<4x32x1xi32>
      %mul3A_134 = arith.constant 64 : i32
      %mul3A_135 = vector.broadcast %mul3A_134 : i32 to vector<4x32x1xi32>
      %mul3A_136 = arith.muli %iota3A_129, %mul3A_135 : vector<4x32x1xi32>
      %add3A_137 = arith.addi %mul3A_133, %mul3A_136 : vector<4x32x1xi32>
      %add3A_138 = arith.addi %add3A_137, %broadcast_in_dim3A_39 : vector<4x32x1xi32>
      %swap3A_139 = arith.constant 0 : index
      %swap3A_140 = arith.constant 0 : index
      %swap3A_141 = arith.constant 0 : index
      %swap3A_142 = vector.load %arg5[%swap3A_139, %swap3A_140, %swap3A_141] : memref<4x32x2xi32, #tpu.memory_space<vmem>>, vector<4x32x1xi32>
      tpu.vector_store %arg5[%swap3A_139, %swap3A_140, %swap3A_141], %add3A_138 {strides = array<i32>} : memref<4x32x2xi32, #tpu.memory_space<vmem>>, vector<4x32x1xi32>,
      %add3A_143 = arith.addi %add3A_137, %broadcast_in_dim3A_55 : vector<4x32x1xi32>
      %swap3A_144 = arith.constant 0 : index
      %swap3A_145 = arith.constant 0 : index
      %swap3A_146 = arith.constant 1 : index
      %swap3A_147 = vector.load %arg5[%swap3A_144, %swap3A_145, %swap3A_146] : memref<4x32x2xi32, #tpu.memory_space<vmem>>, vector<4x32x1xi32>
      tpu.vector_store %arg5[%swap3A_144, %swap3A_145, %swap3A_146], %add3A_143 {strides = array<i32>} : memref<4x32x2xi32, #tpu.memory_space<vmem>>, vector<4x32x1xi32>,
      %swap3A_148 = arith.constant 0 : index
      %swap3A_149 = arith.constant 0 : index
      %swap3A_150 = arith.constant 0 : index
      %swap3A_151 = vector.load %arg6[%swap3A_148, %swap3A_149, %swap3A_150] : memref<4x32x2xf32, #tpu.memory_space<vmem>>, vector<4x32x1xf32>
      tpu.vector_store %arg6[%swap3A_148, %swap3A_149, %swap3A_150], %div3A_60 {strides = array<i32>} : memref<4x32x2xf32, #tpu.memory_space<vmem>>, vector<4x32x1xf32>,
      %swap3A_152 = arith.constant 0 : index
      %swap3A_153 = arith.constant 0 : index
      %swap3A_154 = arith.constant 1 : index
      %swap3A_155 = vector.load %arg6[%swap3A_152, %swap3A_153, %swap3A_154] : memref<4x32x2xf32, #tpu.memory_space<vmem>>, vector<4x32x1xf32>
      tpu.vector_store %arg6[%swap3A_152, %swap3A_153, %swap3A_154], %div3A_61 {strides = array<i32>} : memref<4x32x2xf32, #tpu.memory_space<vmem>>, vector<4x32x1xf32>,
    } else {
    }
    return
  }
  func.func @transform_0(%arg0: i32, %arg1: i32) -> (i32, i32) {
    %mul3A = arith.constant 16 : i32
    %mul3A_0 = arith.muli %arg0, %mul3A : i32
    %add3A = arith.addi %mul3A_0, %arg1 : i32
    %c0_i32 = arith.constant 0 : i32
    %c0_i32_1 = arith.constant 0 : i32
    return %c0_i32, %add3A : i32, i32
  }
  func.func @transform_1(%arg0: i32, %arg1: i32) -> (i32, i32) {
    %mul3A = arith.constant 16 : i32
    %mul3A_0 = arith.muli %arg0, %mul3A : i32
    %add3A = arith.addi %mul3A_0, %arg1 : i32
    %c0_i32 = arith.constant 0 : i32
    %c0_i32_1 = arith.constant 0 : i32
    return %add3A, %c0_i32 : i32, i32
  }
  func.func @transform_2(%arg0: i32, %arg1: i32) -> (i32, i32) {
    %c0_i32 = arith.constant 0 : i32
    %c0_i32_0 = arith.constant 0 : i32
    %c0_i32_1 = arith.constant 0 : i32
    return %c0_i32, %c0_i32_0 : i32, i32
  }
  func.func @transform_3(%arg0: i32, %arg1: i32) -> (i32, i32, i32) {
    %c0_i32 = arith.constant 0 : i32
    %c0_i32_0 = arith.constant 0 : i32
    %c0_i32_1 = arith.constant 0 : i32
    %c0_i32_2 = arith.constant 0 : i32
    return %c0_i32, %c0_i32_0, %c0_i32_1 : i32, i32, i32
  }
  func.func @transform_4(%arg0: i32, %arg1: i32) -> (i32, i32, i32) {
    %c0_i32 = arith.constant 0 : i32
    %c0_i32_0 = arith.constant 0 : i32
    %c0_i32_1 = arith.constant 0 : i32
    %c0_i32_2 = arith.constant 0 : i32
    return %c0_i32, %c0_i32_0, %c0_i32_1 : i32, i32, i32
  }
}

</mosaic_0001>

<sc_bundles>
// kernel: kernel.4.cloned.1.call-start
scs
__scs_entry_jumppad:
0x0: {  	(pc) =	sbr.rel $0x88, $3  }
0x1: {  	(tag) =	ssettag $0x0;
	lr =	simm.s32 $0x1  }
0x2: {  	[smem:$0x3F9E] =	sst lr;
	_ =	strace $0xD0000000  }
0x3: {  	_ = 	snop  }
0x4: {  	_ = 	snop  }
0x5: {  	_ = 	snop  }
0x6: {  	_ = 	snop  }
0x7: {  	_ = 	snop  }
__scs_overlays_trampoline_lowered:
0x8: {  	[smem:$0x3FAD] =	sst s0  }
0x9: {  	[smem:$0x3FAE] =	sst s1  }
0xa: {  	[smem:$0x3FAF] =	sst s2  }
0xb: {  	[smem:$0x3FB0] =	sst s3  }
0xc: {  	[smem:$0x3FB1] =	sst s4  }
0xd: {  	[smem:$0x3FB2] =	sst s5  }
0xe: {  	[smem:$0x3FB3] =	sst s6  }
0xf: {  	[smem:$0x3FB4] =	sst s7  }
0x10: {  	[smem:$0x3FB5] =	sst s8  }
0x11: {  	[smem:$0x3FB6] =	sst s9;
	s0 =	simm.s32 @!p0 $0x0  }
0x12: {  	s1 =	sld [smem:$0x3F9C];
	s0 =	simm.s32 @p0 $0x1  }
0x13: {  	[smem:$0x3FB7] =	sst s0;
	s0 =	simm.s32 @!p1 $0x0  }
0x14: {  	s2 =	sld [smem:$0x3F9B];
	s0 =	simm.s32 @p1 $0x1  }
0x15: {  	[smem:$0x3FB8] =	sst s0;
	s0 =	simm.s32 @!p2 $0x0  }
0x16: {  	s3 =	sld [smem:$0x3FDB];
	s0 =	simm.s32 @p2 $0x1  }
0x17: {  	s4 =	simm.s32 $0x1BF5;
	[smem:$0x3FBA] =	sst s0  }
0x18: {  	s0 =	sld [smem:$0x3F9D];
	_ =	swait.ge [sflag:s4], $0x0  }
0x19: {  	s7 =	sld [smem:$0x3F9E]  }
0x1a: {  	s8 =	sadd.s32 $0xFFFFE003, lr  }
0x1b: {  	s9 =	sadd.s32 $0xFFFFFEF7, lr;
	s5 =	simm.s32 $0xFFFFFFFF;
	p2 =	slt.u32 s8, $0xFFFFF086  }
0x1c: {  	p1 =	slt.u32 s9, $0xF7A;
	s5 =	simm.s32 @!p2 $0x0  }
0x1d: {  	s5 =	simm.s32 @p1 $0x1;
	p0 =	seq.s32 s7, s2  }
0x1e: {  	s7 =	smul.u32 @!p0 $0xF7A, s2;
	p2 =	seq.s32 @!p0 s5, $0x0  }
0x1f: {  	s9 =	smul.u32 $0xF7A, s1;
	s8 =	simm.s32 @!p0 $0x1BF5;
	p2 =	por !p2, p0  }
0x20: {  	[sflag:s8] =	ssyncset.s32 @!p0 $0xFFFFF086;
	s6 =	sadd.s32 @!p0 s3, s7;
	s7 =	simm.s32 @!p0 $0x108  }
0x21: {  	s3 =	sadd.s32 s3, s9;
	s6 =	sadd.s32 @!p0 $0x88, s6;
	s7 =	simm.s32 @p2 $0x1082  }
0x22: {  	[simem:s7], [sflag:s8] =	dma.local @!p0 [hbm:s6], $0xF7A  }
0x23: {  	s9 =	sor.u32 $0xD0000000, s2;
	s6 =	simm.s32 $0x108;
	_ =	swait.ge @!p0 [sflag:s8], $0x0  }
0x24: {  	s3 =	sadd.s32 $0x88, s3;
	s6 =	simm.s32 @!p1 $0x1082;
	[sflag:s4] =	ssyncset.s32 $0xFFFFF086  }
0x25: {  	[simem:s6], [sflag:s4] =	dma.local [hbm:s3], $0xF7A  }
0x26: {  	[smem:$0x3F9E] =	sst s1;
	(tag) =	ssettag s2;
	_ =	strace s9  }
0x27: {  	s1 =	sld [smem:$0x3FAE]  }
0x28: {  	s2 =	sld [smem:$0x3FAF]  }
0x29: {  	s4 =	sld [smem:$0x3FB1]  }
0x2a: {  	p0 =	seq.s32 s5, $0x0;
	s5 =	sld [smem:$0x3FB2]  }
0x2b: {  	s6 =	sld [smem:$0x3FB3]  }
0x2c: {  	s7 =	sld [smem:$0x3FB4]  }
0x2d: {  	s3 =	simm.s32 $0x108;
	s8 =	sld [smem:$0x3FB5]  }
0x2e: {  	s3 =	simm.s32 @!p0 $0x1082;
	s9 =	sld [smem:$0x3FB6]  }
0x2f: {  	lr =	sadd.s32 s0, s3;
	s0 =	sld [smem:$0x3FAD]  }
0x30: {  	s3 =	sld [smem:$0x3FB0]  }
0x31: {  	[smem:$0x3FB9] =	sst s10  }
0x32: {  	s10 =	sld [smem:$0x3FB7];
	_ =	sdelay $0x3  }
0x33: {  	p0 =	seq.s32 s10, $0x1;
	s10 =	sld [smem:$0x3FB9];
	_ =	sdelay $0x3  }
0x34: {  	[smem:$0x3FB9] =	sst s10  }
0x35: {  	s10 =	sld [smem:$0x3FB8];
	_ =	sdelay $0x3  }
0x36: {  	p1 =	seq.s32 s10, $0x1;
	s10 =	sld [smem:$0x3FB9];
	_ =	sdelay $0x3  }
0x37: {  	[smem:$0x3FB9] =	sst s10  }
0x38: {  	s10 =	sld [smem:$0x3FBA]  }
0x39: {  	_ = 	snop;
	(pc) =	sbr.ind lr, $3  }
0x3a: {  	_ = 	snop  }
0x3b: {  	_ = 	snop  }
0x3c: {  	p2 =	seq.s32 s10, $0x1;
	s10 =	sld [smem:$0x3FB9]  }
0x3d: {  	_ =	shalt  }
0x3e: {  	_ =	shalt  }
0x3f: {  	_ =	shalt  }
0x40: {  	_ =	shalt  }
0x41: {  	_ =	shalt  }
0x42: {  	_ =	shalt  }
0x43: {  	_ =	shalt  }
0x44: {  	_ =	shalt  }
0x45: {  	_ =	shalt  }
0x46: {  	_ =	shalt  }
0x47: {  	_ =	shalt  }
0x48: {  	_ =	shalt  }
0x49: {  	_ =	shalt  }
0x4a: {  	_ =	shalt  }
0x4b: {  	_ =	shalt  }
0x4c: {  	_ =	shalt  }
0x4d: {  	_ =	shalt  }
0x4e: {  	_ =	shalt  }
0x4f: {  	_ =	shalt  }
0x50: {  	_ =	shalt  }
0x51: {  	_ =	shalt  }
0x52: {  	_ =	shalt  }
0x53: {  	_ =	shalt  }
0x54: {  	_ =	shalt  }
0x55: {  	_ =	shalt  }
0x56: {  	_ =	shalt  }
0x57: {  	_ =	shalt  }
0x58: {  	_ =	shalt  }
0x59: {  	_ =	shalt  }
0x5a: {  	_ =	shalt  }
0x5b: {  	_ =	shalt  }
0x5c: {  	_ =	shalt  }
0x5d: {  	_ =	shalt  }
0x5e: {  	_ =	shalt  }
0x5f: {  	_ =	shalt  }
0x60: {  	_ =	shalt  }
0x61: {  	_ =	shalt  }
0x62: {  	_ =	shalt  }
0x63: {  	_ =	shalt  }
0x64: {  	_ =	shalt  }
0x65: {  	_ =	shalt  }
0x66: {  	_ =	shalt  }
0x67: {  	_ =	shalt  }
0x68: {  	_ =	shalt  }
0x69: {  	_ =	shalt  }
0x6a: {  	_ =	shalt  }
0x6b: {  	_ =	shalt  }
0x6c: {  	_ =	shalt  }
0x6d: {  	_ =	shalt  }
0x6e: {  	_ =	shalt  }
0x6f: {  	_ =	shalt  }
0x70: {  	_ =	shalt  }
0x71: {  	_ =	shalt  }
0x72: {  	_ =	shalt  }
0x73: {  	_ =	shalt  }
0x74: {  	_ =	shalt  }
0x75: {  	_ =	shalt  }
0x76: {  	_ =	shalt  }
0x77: {  	_ =	shalt  }
0x78: {  	_ =	shalt  }
0x79: {  	_ =	shalt  }
0x7a: {  	_ =	shalt  }
0x7b: {  	_ =	shalt  }
0x7c: {  	_ =	shalt  }
0x7d: {  	_ =	shalt  }
0x7e: {  	_ =	shalt  }
0x7f: {  	_ =	shalt  }
0x80: {  	_ =	shalt  }
0x81: {  	_ =	shalt  }
0x82: {  	_ =	shalt  }
0x83: {  	_ =	shalt  }
0x84: {  	_ =	shalt  }
0x85: {  	_ =	shalt  }
0x86: {  	_ =	shalt  }
0x87: {  	_ =	shalt  }
.Lfunc_end0:
.L_simem_size_0:
called_computation.2_lowered:
.L_overlay_start_0:
0x88: {  	s2 =	sld [smem:$0x3FD9]  }
0x89: {  	s3 =	sld [smem:$0x3FFE];
	_ =	sdelay $0x1  }
0x8a: {  	s1 =	srdreg.scid  }
0x8b: {  	s0 =	sand.u32 $0x1, s1  }
0x8c: {  	s14 =	sshll.u32 s0, $0xA;
	s2 =	sadd.s32 s3, s2  }
0x8d: {  	s2 =	sadd.s32 s2, s14  }
0x8e: {  	[smem:$0x3FC5] =	sst s2  }
0x8f: {  	_ = 	snop  }
0x90: {  	s2 =	sld [smem:$0x3FD0];
	_ =	sdelay $0x2  }
0x91: {  	s15 =	simm.s32 $0xB;
	s4 =	simm.s32 $0x10  }
0x92: {  	[smem:s4], [sflag:s15] =	dma.local [hbm:s2], $0x1  }
0x93: {  	_ =	swait.eq [sflag:s15], $0x1  }
0x94: {  	[sflag:s15] =	ssyncset.done $0x0  }
0x95: {  	s16 =	sld [smem:$0x11];
	[sflag:s15] =	ssyncadd.s32 $0xFFFFFFFF  }
0x96: {  	s17 =	sld [smem:$0x12];
	(tm) =	ssettm $0x1  }
0x97: {  	s18 =	sld [smem:$0x3FFB];
	_ =	sdelay $0x3  }
0x98: {  	_ =	strace s18  }
0x99: {  	s4 =	sld [smem:$0x3FFC];
	_ =	sdelay $0x3  }
0x9a: {  	_ =	strace s4  }
0x9b: {  	s4 =	sld [smem:$0x3FFD];
	_ =	sdelay $0x3  }
0x9c: {  	_ =	strace s4  }
0x9d: {  	_ =	strace $0x8FFFFFFF  }
0x9e: {  	s19 =	sld [smem:$0x3FDB];
	_ =	sdelay $0x1  }
0x9f: {  	s5 =	simm.s32 $_scs_section_size  }
0xa0: {  	s6 =	simm.s32 $_size__tile_overlayer_lowered;
	s7 =	simm.s32 $_tile_overlayer_lowered  }
0xa1: {  	s22 =	simm.s32 $0x1BFF;
	s21 =	sshll.u32 s7, $0x1;
	s4 =	sadd.s32 s5, s19  }
0xa2: {  	s8 =	simm.s32 $0x0;
	s20 =	sshll.u32 s6, $0x1;
	s6 =	sadd.s32 s21, s4  }
0xa3: {  	[timem:s8], [sflag:s22] =	dma.local [hbm:s6], s20  }
0xa4: {  	_ =	swait.ge [sflag:s22], s20  }
0xa5: {  	s5 =	ssub.s32 $0x0, s20;
	[sflag:s22] =	ssyncset.done $0x0  }
0xa6: {  	[sflag:s22] =	ssyncadd.s32 s5;
	_ =	sdelay $0x1  }
0xa7: {  	s23 =	simm.s32 $0x1B8B  }
0xa8: {  	_ =	swait.ge [sflag:s23], $0x1  }
0xa9: {  	[sflag:s23] =	ssyncset.done $0x0  }
0xaa: {  	s25 =	simm.s32 $0x1B8E;
	s24 =	sld [smem:$0x3FFE];
	[sflag:s23] =	ssyncadd.s32 $0xFFFFFFFF  }
0xab: {  	s26 =	simm.s32 $execute0_lowered;
	[smem:$0x3FD2] =	sst s25  }
0xac: {  	s6 =	sshll.u32 s26, $0x1;
	_ =	strace $0x8000004C;
	[dreg:$0x1] =	wrdreg $0xFFFFFFFF  }
0xad: {  	s28 =	simm.s32 $_size_execute0_lowered;
	s4 =	sadd.s32 s4, s6;
	[dreg:$0x0] =	wrdreg $0x0  }
0xae: {  	s6 =	sshll.u32 s28, $0x1;
	[dreg:$0x2] =	wrdreg s4  }
0xaf: {  	[dreg:$0x3] =	wrdreg s6  }
0xb0: {  	[dreg:$0x4] =	wrdreg $0xC0  }
0xb1: {  	_ =	task [dreg:s8], $0x5FFFF  }
0xb2: {  	[dreg:$0x1] =	wrdreg $0xFFFFFFFF  }
0xb3: {  	[dreg:$0x0] =	wrdreg $0x60  }
0xb4: {  	[dreg:$0x2] =	wrdreg s24  }
0xb5: {  	[dreg:$0x3] =	wrdreg s17  }
0xb6: {  	[dreg:$0x4] =	wrdreg s16  }
0xb7: {  	[dreg:$0x5] =	wrdreg $0x9  }
0xb8: {  	_ =	task.clear_ibuf [dreg:s8], $0x6FFFF;
	_ =	strace $0x9000004C  }
0xb9: {  	s29 =	simm.s32 $0x9;
	_ =	strace $0x8000004E  }
0xba: {  	_ =	swait.ge [sflag:s29], $0x1  }
0xbb: {  	[sflag:s29] =	ssyncadd.s32 $0xFFFFFFFF  }
0xbc: {  	_ =	strace $0x9000004E  }
0xbd: {  	_ =	sfence  }
0xbe: {  	s30 =	sld [smem:$0x0];
	_ =	sdelay $0x2  }
0xbf: {  	s31 =	sshll.u32 s1, $0xD;
	s1 =	sshrl.u32 s1, $0x2  }
0xc0: {  	s3 =	sand.u32 $0x4000, s31;
	s1 =	sadd.s32 s1, s30  }
0xc1: {  	s0 =	sor.u32 s3, s0;
	s1 =	sshll.u32 s1, $0x11  }
0xc2: {  	s0 =	sor.u32 s1, s0  }
0xc3: {  	s0 =	sadd.s32 $0x8F2B, s0  }
0xc4: {  	[sflag:s0] =	ssyncadd.remote.s32 $0x1  }
0xc5: {  	_ =	sfence.sel $0xFFFF  }
0xc6: {  	[dreg:$0x0] =	wrdreg $0xFFFFFFFF;
	(pc) =	sbr.abs _section_cstart, $3  }
0xc7: {  	[dreg:$0x1] =	wrdreg $0xFFFFFFFF  }
0xc8: {  	_ =	task.clear_ibuf [dreg:s8], $0x2FFFF;
	_ =	strace $0x9FFFFFFF  }
0xc9: {  	(tm) =	ssettm $0x7FFFFFFF  }
tec
execute0_lowered:
.L_overlay_start_1:
0x0: {  	(tag) =	ssettag $0x1  }
0x1: {  	s0 =	rddreg [dreg:$0x0]  }
0x2: {  	s12 =	rddreg [dreg:$0x1]  }
0x3: {  	s13 =	rddreg [dreg:$0x2]  }
0x4: {  	s2 =	simm.s32 $0x0;
	s3 =	srdreg.scid;
	s1 =	stileid.u32  }
0x5: {  	s18 =	simm.s32 $0xC80;
	s19 =	simm.s32 $0x1480;
	s20 =	simm.s32 $0x1C80  }
0x6: {  	s21 =	simm.s32 $0x2480;
	s22 =	simm.s32 $0x2C80;
	s23 =	simm.s32 $0x3480  }
0x7: {  	s24 =	simm.s32 $0x3C80;
	s25 =	simm.s32 $0x80;
	s26 =	simm.s32 $0x1  }
0x8: {  	s28 =	simm.s32 $0x0;
	[smem:$0x7FF] =	sst s2;
	s5 =	sand.u32 $0x1, s3  }
0x9: {  	s3 =	sadd.s32 $0x1200, s0;
	s6 =	sshll.u32 s1, $0x4;
	s4 =	sadd.s32 $0x101200, s0  }
0xa: {  	s8 =	sadd.s32 $0x1500, s0;
	s9 =	sadd.s32 $0x101300, s0;
	s11 =	sadd.s32 $0x101500, s0  }
0xb: {  	_ =	strace $0x8000004D;
	s7 =	sshll.u32 s5, $0x3;
	s5 =	ssub.s32 $0x2, s5  }
0xc: {  	s10 =	sor.u32 s7, s6;
	s31 =	sshrl.u32 s5, $0x1;
	s7 =	sadd.s32 $0x1400, s0  }
0xd: {  	s6 =	sshrl.u32 s10, $0x3;
	s14 =	sshll.u32 s10, $0x7;
	s16 =	ssub.s32 s5, s31  }
0xe: {  	s17 =	sshll.u32 s10, $0x4;
	s10 =	sadd.s32 $0x101400, s0;
	s6 =	sadd.s32 s6, s0  }
0xf: {  	v0 =	vlaneseq.u32;
	s15 =	sadd.s32 s14, s0;
	s12 =	sadd.s32 s12, s17;
	s13 =	sadd.s32 s13, s14  }
0x10: {  	v1 =	vshrl.u32 v0, $0x3;
	s17 =	simm.s32 $0x480;
	s5 =	sadd.s32 $0x401200, s6;
	s6 =	sadd.s32 $0x1300, s0  }
0x11: {  	vm0 =	vmmov $0xffff;
	v0 =	vand.u32 $0x7, v0;
	v1 =	vmul.u32 $0x8, v1;
	s14 =	sadd.s32 $0x201200, s15;
	s15 =	smax.u32 s16, $0x1;
	s16 =	simm.s32 $0x2  }
.LBB2_1:
0x12: {  	[tilespmem:s2], [sflag:$0x2] =	stream.linear.gather [hbm4b:s5+s2], $0x8, $0x38;
	[tilespmem:$0x4480] =	vst v63  }
0x13: {  	_ =	swait.ge [sflag:s16], $0x8  }
0x14: {  	[sflag:s16] =	ssyncset.done $0x0  }
0x15: {  	[sflag:s16] =	ssyncadd.s32 $0xFFFFFFF8  }
0x16: {  	v2 =	vld.msk [tilespmem:$0x0], $0xff;
	_ =	sdelay $0x4  }
0x17: {  	v3 =	vshll.u32 v2, $0x3  }
0x18: {  	v2 =	vand.u32 $0x7, v2;
	v3 =	vand.u32 $0xFFFFFFC0, v3  }
0x19: {  	v2 =	vor.u32 v2, v3  }
0x1a: {  	v2 =	vperm.xlane v2, v0;
	_ =	sdelay $0x1  }
0x1b: {  	v2 =	vadd.s32 v1, v2;
	_ =	sdelay $0x4  }
0x1c: {  	[tilespmem:s17], [sflag:$0x1] =	stream.indirect_vreg.gather [hbm4b:s3+s2], $0x80, v2, vm0, $0xb8;
	[tilespmem:$0x4480] =	vst v63  }
0x1d: {  	_ = 	snop  }
0x1e: {  	[tilespmem:s18], [sflag:$0x1] =	stream.indirect_vreg.gather [hbm4b:s6+s2], $0x80, v2, vm0, $0xb8;
	[tilespmem:$0x4480] =	vst v63  }
0x1f: {  	_ = 	snop  }
0x20: {  	[tilespmem:s19], [sflag:$0x1] =	stream.indirect_vreg.gather [hbm4b:s7+s2], $0x80, v2, vm0, $0xb8;
	[tilespmem:$0x4480] =	vst v63  }
0x21: {  	_ = 	snop  }
0x22: {  	[tilespmem:s20], [sflag:$0x1] =	stream.indirect_vreg.gather [hbm4b:s8+s2], $0x80, v2, vm0, $0xb8;
	[tilespmem:$0x4480] =	vst v63  }
0x23: {  	v2 =	vld.msk [tilespmem:$0x0], $0xff;
	_ =	sdelay $0x4  }
0x24: {  	v3 =	vshll.u32 v2, $0x3  }
0x25: {  	v2 =	vand.u32 $0x7, v2;
	v3 =	vand.u32 $0xFFFFFFC0, v3  }
0x26: {  	v2 =	vor.u32 v2, v3  }
0x27: {  	v2 =	vperm.xlane v2, v0;
	_ =	sdelay $0x1  }
0x28: {  	v2 =	vadd.s32 v1, v2;
	_ =	sdelay $0x4  }
0x29: {  	[tilespmem:s21], [sflag:$0x1] =	stream.indirect_vreg.gather [hbm4b:s4+s2], $0x80, v2, vm0, $0xb8;
	[tilespmem:$0x4480] =	vst v63  }
0x2a: {  	_ = 	snop  }
0x2b: {  	[tilespmem:s22], [sflag:$0x1] =	stream.indirect_vreg.gather [hbm4b:s9+s2], $0x80, v2, vm0, $0xb8;
	[tilespmem:$0x4480] =	vst v63  }
0x2c: {  	_ = 	snop  }
0x2d: {  	[tilespmem:s23], [sflag:$0x1] =	stream.indirect_vreg.gather [hbm4b:s10+s2], $0x80, v2, vm0, $0xb8;
	[tilespmem:$0x4480] =	vst v63  }
0x2e: {  	_ = 	snop  }
0x2f: {  	[tilespmem:s24], [sflag:$0x1] =	stream.indirect_vreg.gather [hbm4b:s11+s2], $0x80, v2, vm0, $0xb8;
	[tilespmem:$0x4480] =	vst v63  }
0x30: {  	_ = 	snop  }
0x31: {  	[tilespmem:s25], [sflag:$0x2] =	stream.linear.gather [hbm4b:s12+s2], $0x400, $0x38;
	[tilespmem:$0x4480] =	vst v63  }
0x32: {  	_ =	swait.ge [sflag:s16], $0x400  }
0x33: {  	[sflag:s16] =	ssyncset.done $0x0  }
0x34: {  	[sflag:s16] =	ssyncadd.s32 $0xFFFFFC00  }
0x35: {  	_ =	swait.ge [sflag:s26], $0x2000  }
0x36: {  	[sflag:s26] =	ssyncset.done $0x0  }
0x37: {  	[sflag:s26] =	ssyncadd.s32 $0xFFFFE000  }
0x38: {  	_ =	swait.ge [sflag:s26], $0x2000  }
0x39: {  	[sflag:s26] =	ssyncset.done $0x0  }
0x3a: {  	s0 =	sand.u32 $0x70, s2;
	s29 =	sand.u32 $0x1C00, s2;
	[sflag:s26] =	ssyncadd.s32 $0xFFFFE000  }
0x3b: {  	s29 =	sor.u32 s0, s29;
	v2 =	vld [tilespmem:$0x80]  }
0x3c: {  	v3 =	vld [tilespmem:s29+$0x480]  }
0x3d: {  	v4 =	vld [tilespmem:s29+$0x2480];
	_ =	sdelay $0x3  }
0x3e: {  	s1 =	simm.s32 $0x10;
	s30 =	simm.s32 $0x80;
	v5 =	vmul.f32 v3, v2  }
0x3f: {  	s0 =	sand.u32 $0x70, s1;
	s31 =	sand.u32 $0x1C00, s30;
	v3 =	vmul.f32 v4, v2  }
0x40: {  	s0 =	sor.u32 s0, s31;
	s31 =	simm.s32 $0x20;
	[tilespmem:s29+$0x480] =	vst v5  }
.LBB2_2:
0x41: {  	p0 =	sne.s32 s31, $0x3F0;
	v4 =	vld [tilespmem:s0+$0x480];
	[tilespmem:s29+$0x2480] =	vst v3;
	s29 =	smov.u32 s0  }
0x42: {  	v3 =	vld [tilespmem:s29+$0x2480];
	_ =	sdelay $0x1  }
.Ltmp0:
0x43: {  	(pc) =	sbr.rel @p0 .LBB2_2-.Ltmp0, $4  }
0x44: {  	_ = 	snop  }
0x45: {  	s30 =	sadd.s32 $0x80, s30;
	v4 =	vmul.f32 v4, v2  }
0x46: {  	s0 =	sand.u32 $0x70, s31;
	s1 =	sand.u32 $0x1C00, s30;
	v3 =	vmul.f32 v3, v2  }
0x47: {  	s31 =	sadd.s32 $0x10, s31;
	s0 =	sor.u32 s0, s1;
	[tilespmem:s29+$0x480] =	vst v4  }
0x48: {  	v4 =	vld [tilespmem:s0+$0x480];
	[tilespmem:s29+$0x2480] =	vst v3  }
0x49: {  	v3 =	vld [tilespmem:s0+$0x2480];
	_ =	sdelay $0x3  }
0x4a: {  	v4 =	vmul.f32 v4, v2  }
0x4b: {  	v2 =	vmul.f32 v3, v2  }
0x4c: {  	s1 =	simm.s32 $0x0;
	[tilespmem:s0+$0x480] =	vst v4  }
0x4d: {  	[tilespmem:s0+$0x2480] =	vst v2;
	s0 =	sand.u32 $0x70, s1;
	s1 =	sand.u32 $0x1C00, s1  }
0x4e: {  	v2 =	vld [tilespmem:$0x100];
	s29 =	sor.u32 s1, s0  }
0x4f: {  	v3 =	vld [tilespmem:s29+$0x500]  }
0x50: {  	v4 =	vld [tilespmem:s29+$0x2500];
	_ =	sdelay $0x3  }
0x51: {  	s30 =	simm.s32 $0x80;
	s1 =	simm.s32 $0x10;
	v5 =	vmul.f32 v3, v2  }
0x52: {  	s0 =	sand.u32 $0x70, s1;
	s1 =	sand.u32 $0x1C00, s30;
	v3 =	vmul.f32 v4, v2  }
0x53: {  	s31 =	simm.s32 $0x20;
	s0 =	sor.u32 s1, s0;
	[tilespmem:s29+$0x500] =	vst v5  }
.LBB2_4:
0x54: {  	p0 =	sne.s32 s31, $0x3F0;
	v4 =	vld [tilespmem:s0+$0x500];
	[tilespmem:s29+$0x2500] =	vst v3;
	s29 =	smov.u32 s0  }
0x55: {  	v3 =	vld [tilespmem:s29+$0x2500];
	_ =	sdelay $0x1  }
.Ltmp1:
0x56: {  	(pc) =	sbr.rel @p0 .LBB2_4-.Ltmp1, $4  }
0x57: {  	_ = 	snop  }
0x58: {  	s30 =	sadd.s32 $0x80, s30;
	v4 =	vmul.f32 v4, v2  }
0x59: {  	s0 =	sand.u32 $0x70, s31;
	s1 =	sand.u32 $0x1C00, s30;
	v3 =	vmul.f32 v3, v2  }
0x5a: {  	s31 =	sadd.s32 $0x10, s31;
	s0 =	sor.u32 s1, s0;
	[tilespmem:s29+$0x500] =	vst v4  }
0x5b: {  	v4 =	vld [tilespmem:s0+$0x500];
	[tilespmem:s29+$0x2500] =	vst v3  }
0x5c: {  	v3 =	vld [tilespmem:s0+$0x2500];
	_ =	sdelay $0x3  }
0x5d: {  	v4 =	vmul.f32 v4, v2  }
0x5e: {  	v2 =	vmul.f32 v3, v2  }
0x5f: {  	s1 =	simm.s32 $0x0;
	[tilespmem:s0+$0x500] =	vst v4  }
0x60: {  	[tilespmem:s0+$0x2500] =	vst v2;
	s0 =	sand.u32 $0x70, s1;
	s1 =	sand.u32 $0x1C00, s1  }
0x61: {  	v2 =	vld [tilespmem:$0x180];
	s29 =	sor.u32 s1, s0  }
0x62: {  	v3 =	vld [tilespmem:s29+$0x580]  }
0x63: {  	v4 =	vld [tilespmem:s29+$0x2580];
	_ =	sdelay $0x3  }
0x64: {  	s30 =	simm.s32 $0x80;
	s1 =	simm.s32 $0x10;
	v5 =	vmul.f32 v3, v2  }
0x65: {  	s0 =	sand.u32 $0x70, s1;
	s1 =	sand.u32 $0x1C00, s30;
	v3 =	vmul.f32 v4, v2  }
0x66: {  	s31 =	simm.s32 $0x20;
	s0 =	sor.u32 s1, s0;
	[tilespmem:s29+$0x580] =	vst v5  }
.LBB2_6:
0x67: {  	p0 =	sne.s32 s31, $0x3F0;
	v4 =	vld [tilespmem:s0+$0x580];
	[tilespmem:s29+$0x2580] =	vst v3;
	s29 =	smov.u32 s0  }
0x68: {  	v3 =	vld [tilespmem:s29+$0x2580];
	_ =	sdelay $0x1  }
.Ltmp2:
0x69: {  	(pc) =	sbr.rel @p0 .LBB2_6-.Ltmp2, $4  }
0x6a: {  	_ = 	snop  }
0x6b: {  	s30 =	sadd.s32 $0x80, s30;
	v4 =	vmul.f32 v4, v2  }
0x6c: {  	s0 =	sand.u32 $0x70, s31;
	s1 =	sand.u32 $0x1C00, s30;
	v3 =	vmul.f32 v3, v2  }
0x6d: {  	s31 =	sadd.s32 $0x10, s31;
	s0 =	sor.u32 s1, s0;
	[tilespmem:s29+$0x580] =	vst v4  }
0x6e: {  	v4 =	vld [tilespmem:s0+$0x580];
	[tilespmem:s29+$0x2580] =	vst v3  }
0x6f: {  	v3 =	vld [tilespmem:s0+$0x2580];
	_ =	sdelay $0x3  }
0x70: {  	v4 =	vmul.f32 v4, v2  }
0x71: {  	v2 =	vmul.f32 v3, v2  }
0x72: {  	s1 =	simm.s32 $0x0;
	[tilespmem:s0+$0x580] =	vst v4  }
0x73: {  	[tilespmem:s0+$0x2580] =	vst v2;
	s0 =	sand.u32 $0x70, s1;
	s1 =	sand.u32 $0x1C00, s1  }
0x74: {  	v2 =	vld [tilespmem:$0x200];
	s29 =	sor.u32 s1, s0  }
0x75: {  	v3 =	vld [tilespmem:s29+$0x600]  }
0x76: {  	v4 =	vld [tilespmem:s29+$0x2600];
	_ =	sdelay $0x3  }
0x77: {  	s30 =	simm.s32 $0x80;
	s1 =	simm.s32 $0x10;
	v5 =	vmul.f32 v3, v2  }
0x78: {  	s0 =	sand.u32 $0x70, s1;
	s1 =	sand.u32 $0x1C00, s30;
	v3 =	vmul.f32 v4, v2  }
0x79: {  	s31 =	simm.s32 $0x20;
	s0 =	sor.u32 s1, s0;
	[tilespmem:s29+$0x600] =	vst v5  }
.LBB2_8:
0x7a: {  	p0 =	sne.s32 s31, $0x3F0;
	v4 =	vld [tilespmem:s0+$0x600];
	[tilespmem:s29+$0x2600] =	vst v3;
	s29 =	smov.u32 s0  }
0x7b: {  	v3 =	vld [tilespmem:s29+$0x2600];
	_ =	sdelay $0x1  }
.Ltmp3:
0x7c: {  	(pc) =	sbr.rel @p0 .LBB2_8-.Ltmp3, $4  }
0x7d: {  	_ = 	snop  }
0x7e: {  	s30 =	sadd.s32 $0x80, s30;
	v4 =	vmul.f32 v4, v2  }
0x7f: {  	s0 =	sand.u32 $0x70, s31;
	s1 =	sand.u32 $0x1C00, s30;
	v3 =	vmul.f32 v3, v2  }
0x80: {  	s31 =	sadd.s32 $0x10, s31;
	s0 =	sor.u32 s1, s0;
	[tilespmem:s29+$0x600] =	vst v4  }
0x81: {  	v4 =	vld [tilespmem:s0+$0x600];
	[tilespmem:s29+$0x2600] =	vst v3  }
0x82: {  	v3 =	vld [tilespmem:s0+$0x2600];
	_ =	sdelay $0x3  }
0x83: {  	v4 =	vmul.f32 v4, v2  }
0x84: {  	v2 =	vmul.f32 v3, v2  }
0x85: {  	s1 =	simm.s32 $0x0;
	[tilespmem:s0+$0x600] =	vst v4  }
0x86: {  	[tilespmem:s0+$0x2600] =	vst v2;
	s0 =	sand.u32 $0x70, s1;
	s1 =	sand.u32 $0x1C00, s1  }
0x87: {  	v2 =	vld [tilespmem:$0x280];
	s29 =	sor.u32 s1, s0  }
0x88: {  	v3 =	vld [tilespmem:s29+$0x680]  }
0x89: {  	v4 =	vld [tilespmem:s29+$0x2680];
	_ =	sdelay $0x3  }
0x8a: {  	s30 =	simm.s32 $0x80;
	s1 =	simm.s32 $0x10;
	v5 =	vmul.f32 v3, v2  }
0x8b: {  	s0 =	sand.u32 $0x70, s1;
	s1 =	sand.u32 $0x1C00, s30;
	v3 =	vmul.f32 v4, v2  }
0x8c: {  	s31 =	simm.s32 $0x20;
	s0 =	sor.u32 s1, s0;
	[tilespmem:s29+$0x680] =	vst v5  }
.LBB2_10:
0x8d: {  	p0 =	sne.s32 s31, $0x3F0;
	v4 =	vld [tilespmem:s0+$0x680];
	[tilespmem:s29+$0x2680] =	vst v3;
	s29 =	smov.u32 s0  }
0x8e: {  	v3 =	vld [tilespmem:s29+$0x2680];
	_ =	sdelay $0x1  }
.Ltmp4:
0x8f: {  	(pc) =	sbr.rel @p0 .LBB2_10-.Ltmp4, $4  }
0x90: {  	_ = 	snop  }
0x91: {  	s30 =	sadd.s32 $0x80, s30;
	v4 =	vmul.f32 v4, v2  }
0x92: {  	s0 =	sand.u32 $0x70, s31;
	s1 =	sand.u32 $0x1C00, s30;
	v3 =	vmul.f32 v3, v2  }
0x93: {  	s31 =	sadd.s32 $0x10, s31;
	s0 =	sor.u32 s1, s0;
	[tilespmem:s29+$0x680] =	vst v4  }
0x94: {  	v4 =	vld [tilespmem:s0+$0x680];
	[tilespmem:s29+$0x2680] =	vst v3  }
0x95: {  	v3 =	vld [tilespmem:s0+$0x2680];
	_ =	sdelay $0x3  }
0x96: {  	v4 =	vmul.f32 v4, v2  }
0x97: {  	v2 =	vmul.f32 v3, v2  }
0x98: {  	s1 =	simm.s32 $0x0;
	[tilespmem:s0+$0x680] =	vst v4  }
0x99: {  	[tilespmem:s0+$0x2680] =	vst v2;
	s0 =	sand.u32 $0x70, s1;
	s1 =	sand.u32 $0x1C00, s1  }
0x9a: {  	v2 =	vld [tilespmem:$0x300];
	s29 =	sor.u32 s1, s0  }
0x9b: {  	v3 =	vld [tilespmem:s29+$0x700]  }
0x9c: {  	v4 =	vld [tilespmem:s29+$0x2700];
	_ =	sdelay $0x3  }
0x9d: {  	s30 =	simm.s32 $0x80;
	s1 =	simm.s32 $0x10;
	v5 =	vmul.f32 v3, v2  }
0x9e: {  	s0 =	sand.u32 $0x70, s1;
	s1 =	sand.u32 $0x1C00, s30;
	v3 =	vmul.f32 v4, v2  }
0x9f: {  	s31 =	simm.s32 $0x20;
	s0 =	sor.u32 s1, s0;
	[tilespmem:s29+$0x700] =	vst v5  }
.LBB2_12:
0xa0: {  	p0 =	sne.s32 s31, $0x3F0;
	v4 =	vld [tilespmem:s0+$0x700];
	[tilespmem:s29+$0x2700] =	vst v3;
	s29 =	smov.u32 s0  }
0xa1: {  	v3 =	vld [tilespmem:s29+$0x2700];
	_ =	sdelay $0x1  }
.Ltmp5:
0xa2: {  	(pc) =	sbr.rel @p0 .LBB2_12-.Ltmp5, $4  }
0xa3: {  	_ = 	snop  }
0xa4: {  	s30 =	sadd.s32 $0x80, s30;
	v4 =	vmul.f32 v4, v2  }
0xa5: {  	s0 =	sand.u32 $0x70, s31;
	s1 =	sand.u32 $0x1C00, s30;
	v3 =	vmul.f32 v3, v2  }
0xa6: {  	s31 =	sadd.s32 $0x10, s31;
	s0 =	sor.u32 s1, s0;
	[tilespmem:s29+$0x700] =	vst v4  }
0xa7: {  	v4 =	vld [tilespmem:s0+$0x700];
	[tilespmem:s29+$0x2700] =	vst v3  }
0xa8: {  	v3 =	vld [tilespmem:s0+$0x2700];
	_ =	sdelay $0x3  }
0xa9: {  	v4 =	vmul.f32 v4, v2  }
0xaa: {  	v2 =	vmul.f32 v3, v2  }
0xab: {  	s1 =	simm.s32 $0x0;
	[tilespmem:s0+$0x700] =	vst v4  }
0xac: {  	[tilespmem:s0+$0x2700] =	vst v2;
	s0 =	sand.u32 $0x70, s1;
	s1 =	sand.u32 $0x1C00, s1  }
0xad: {  	v2 =	vld [tilespmem:$0x380];
	s29 =	sor.u32 s1, s0  }
0xae: {  	v3 =	vld [tilespmem:s29+$0x780]  }
0xaf: {  	v4 =	vld [tilespmem:s29+$0x2780];
	_ =	sdelay $0x3  }
0xb0: {  	s30 =	simm.s32 $0x80;
	s1 =	simm.s32 $0x10;
	v5 =	vmul.f32 v3, v2  }
0xb1: {  	s0 =	sand.u32 $0x70, s1;
	s1 =	sand.u32 $0x1C00, s30;
	v3 =	vmul.f32 v4, v2  }
0xb2: {  	s31 =	simm.s32 $0x20;
	s0 =	sor.u32 s1, s0;
	[tilespmem:s29+$0x780] =	vst v5  }
.LBB2_14:
0xb3: {  	p0 =	sne.s32 s31, $0x3F0;
	v4 =	vld [tilespmem:s0+$0x780];
	[tilespmem:s29+$0x2780] =	vst v3;
	s29 =	smov.u32 s0  }
0xb4: {  	v3 =	vld [tilespmem:s29+$0x2780];
	_ =	sdelay $0x1  }
.Ltmp6:
0xb5: {  	(pc) =	sbr.rel @p0 .LBB2_14-.Ltmp6, $4  }
0xb6: {  	_ = 	snop  }
0xb7: {  	s30 =	sadd.s32 $0x80, s30;
	v4 =	vmul.f32 v4, v2  }
0xb8: {  	s0 =	sand.u32 $0x70, s31;
	s1 =	sand.u32 $0x1C00, s30;
	v3 =	vmul.f32 v3, v2  }
0xb9: {  	s31 =	sadd.s32 $0x10, s31;
	s0 =	sor.u32 s1, s0;
	[tilespmem:s29+$0x780] =	vst v4  }
0xba: {  	v4 =	vld [tilespmem:s0+$0x780];
	[tilespmem:s29+$0x2780] =	vst v3  }
0xbb: {  	v3 =	vld [tilespmem:s0+$0x2780];
	_ =	sdelay $0x3  }
0xbc: {  	v4 =	vmul.f32 v4, v2  }
0xbd: {  	v2 =	vmul.f32 v3, v2  }
0xbe: {  	s1 =	simm.s32 $0x0;
	[tilespmem:s0+$0x780] =	vst v4  }
0xbf: {  	s1 =	sor.u32 s1, s1;
	[tilespmem:s0+$0x2780] =	vst v2  }
0xc0: {  	s29 =	sor.u32 $0x380, s1;
	v2 =	vld [tilespmem:$0x400]  }
0xc1: {  	v3 =	vld [tilespmem:s29+$0x480]  }
0xc2: {  	v4 =	vld [tilespmem:s29+$0x2480];
	_ =	sdelay $0x3  }
0xc3: {  	s30 =	simm.s32 $0x80;
	s1 =	simm.s32 $0x10;
	v5 =	vmul.f32 v3, v2  }
0xc4: {  	s0 =	sor.u32 s30, s1;
	v3 =	vmul.f32 v4, v2  }
0xc5: {  	s31 =	simm.s32 $0x20;
	s0 =	sor.u32 $0x380, s0;
	[tilespmem:s29+$0x480] =	vst v5  }
.LBB2_16:
0xc6: {  	p0 =	sne.s32 s31, $0x3F0;
	v4 =	vld [tilespmem:s0+$0x480];
	[tilespmem:s29+$0x2480] =	vst v3;
	s29 =	smov.u32 s0  }
0xc7: {  	v3 =	vld [tilespmem:s29+$0x2480];
	_ =	sdelay $0x1  }
.Ltmp7:
0xc8: {  	(pc) =	sbr.rel @p0 .LBB2_16-.Ltmp7, $4  }
0xc9: {  	_ = 	snop  }
0xca: {  	s30 =	sadd.s32 $0x80, s30;
	v4 =	vmul.f32 v4, v2  }
0xcb: {  	s0 =	sor.u32 s30, s31;
	v3 =	vmul.f32 v3, v2  }
0xcc: {  	s31 =	sadd.s32 $0x10, s31;
	s0 =	sor.u32 $0x380, s0;
	[tilespmem:s29+$0x480] =	vst v4  }
0xcd: {  	v4 =	vld [tilespmem:s0+$0x480];
	[tilespmem:s29+$0x2480] =	vst v3  }
0xce: {  	v3 =	vld [tilespmem:s0+$0x2480];
	_ =	sdelay $0x3  }
0xcf: {  	v4 =	vmul.f32 v4, v2  }
0xd0: {  	v2 =	vmul.f32 v3, v2  }
0xd1: {  	[tilespmem:s0+$0x480] =	vst v4  }
0xd2: {  	[tilespmem:s0+$0x2480] =	vst v2  }
0xd3: {  	[hbm4b:s13+s2] =	stream.linear.scatter [tilespmem:s17], [sflag:$0x2], $0x2000, $0x38;
	[tilespmem:$0x4480] =	vst v63  }
0xd4: {  	s28 =	sadd.s32 $0x1, s28;
	_ =	swait.ge [sflag:s16], $0x2000  }
0xd5: {  	p0 =	sne.s32 s28, s15;
	[sflag:s16] =	ssyncset.done $0x0  }
.Ltmp8:
0xd6: {  	[sflag:s16] =	ssyncadd.s32 $0xFFFFE000;
	(pc) =	sbr.rel @p0 .LBB2_1-.Ltmp8, $4  }
0xd7: {  	[hbm4b:s14+s2] =	stream.linear.scatter [tilespmem:s21], [sflag:$0x2], $0x2000, $0x38;
	[tilespmem:$0x4480] =	vst v63  }
0xd8: {  	_ =	swait.ge [sflag:s16], $0x2000  }
0xd9: {  	[sflag:s16] =	ssyncset.done $0x0  }
0xda: {  	[sflag:s16] =	ssyncadd.s32 $0xFFFFE000  }
0xdb: {  	_ =	sfence.sel $0x180000  }
0xdc: {  	[bflag:$0x0] =	sbarrier.arrive $0xFFFF  }
0xdd: {  	_ =	strace $0x9000004D  }
0xde: {  	s0 =	stileid.u32;
	[bflag:$0x2] =	sbarrier.arrive $0xFFFF  }
0xdf: {  	p0 =	sne.s32 s0, $0x0;
	s0 =	rddreg [dreg:$0x3]  }
0xe0: {  	s0 =	sadd.s32 @!p0 $0x100000, s0  }
0xe1: {  	[sflag:s0] =	ssyncadd.tile.s32 @!p0 $0x1;
	_ =	shalt  }
.Lfunc_end2:
_tile_overlayer_lowered:
.L_overlay_start_2:
0xe2: {  	(tag) =	ssettag $0x2  }
0xe3: {  	s0 =	rddreg [dreg:$0x0];
	s2 =	stileid.u32  }
0xe4: {  	s1 =	rddreg [dreg:$0x1];
	p0 =	sne.s32 s2, $0x0  }
0xe5: {  	s3 =	rddreg [dreg:$0x2];
	[bflag:$0x3] =	sbarrier.arrive $0xFFFF;
	s2 =	simm.s32 @!p0 $0x1C02  }
0xe6: {  	[timem:s3], [sflag:s2] =	dma.local @!p0 [hbm:s0], s1  }
0xe7: {  	s0 =	simm.s32 @!p0 $0x2  }
0xe8: {  	_ =	swait.ge @!p0 [sflag:s0], s1  }
0xe9: {  	s1 =	ssub.s32 @!p0 $0x0, s1;
	[sflag:s0] =	ssyncset.done @!p0 $0x0  }
0xea: {  	[sflag:s0] =	ssyncadd.s32 @!p0 s1  }
0xeb: {  	[bflag:$0x3] =	sbarrier.arrive $0xFFFF  }
0xec: {  	_ =	shalt  }

// kernel: sparse-core-data-format-call.1.cloned.1.call-start
scs
called_computation.1_lowered:
.L_overlay_start_0:
0x0: {  	s1 =	sld [smem:$0x3FD9]  }
0x1: {  	s2 =	sld [smem:$0x3FFE];
	_ =	sdelay $0x1  }
0x2: {  	s3 =	srdreg.scid  }
0x3: {  	s0 =	sand.u32 $0x1, s3  }
0x4: {  	s17 =	sshll.u32 s0, $0xA;
	s1 =	sadd.s32 s2, s1  }
0x5: {  	s1 =	sadd.s32 s1, s17  }
0x6: {  	[smem:$0x3FC5] =	sst s1  }
0x7: {  	_ = 	snop  }
0x8: {  	(tm) =	ssettm $0x1  }
0x9: {  	s18 =	sld [smem:$0x3FFB];
	_ =	sdelay $0x3  }
0xa: {  	_ =	strace s18  }
0xb: {  	s1 =	sld [smem:$0x3FFC];
	_ =	sdelay $0x3  }
0xc: {  	_ =	strace s1  }
0xd: {  	s1 =	sld [smem:$0x3FFD];
	_ =	sdelay $0x3  }
0xe: {  	_ =	strace s1  }
0xf: {  	_ =	strace $0x8FFFFFFF  }
0x10: {  	s19 =	sld [smem:$0x3FDB];
	_ =	sdelay $0x1  }
0x11: {  	s20 =	simm.s32 $_scs_section_size  }
0x12: {  	s4 =	simm.s32 $_size__tile_overlayer_lowered;
	s5 =	simm.s32 $_tile_overlayer_lowered  }
0x13: {  	s23 =	simm.s32 $0x1BFF;
	s22 =	sshll.u32 s5, $0x1;
	s1 =	sadd.s32 s20, s19  }
0x14: {  	s6 =	simm.s32 $0x0;
	s21 =	sshll.u32 s4, $0x1;
	s4 =	sadd.s32 s22, s1  }
0x15: {  	[timem:s6], [sflag:s23] =	dma.local [hbm:s4], s21  }
0x16: {  	_ =	swait.ge [sflag:s23], s21  }
0x17: {  	s2 =	ssub.s32 $0x0, s21;
	[sflag:s23] =	ssyncset.done $0x0  }
0x18: {  	[sflag:s23] =	ssyncadd.s32 s2;
	_ =	sdelay $0x1  }
0x19: {  	s24 =	simm.s32 $0x1B8B  }
0x1a: {  	_ =	swait.ge [sflag:s24], $0x1  }
0x1b: {  	[sflag:s24] =	ssyncset.done $0x0  }
0x1c: {  	s26 =	simm.s32 $0x1B8E;
	s25 =	sld [smem:$0x3FFE];
	[sflag:s24] =	ssyncadd.s32 $0xFFFFFFFF  }
0x1d: {  	s27 =	simm.s32 $execute0_lowered;
	[smem:$0x3FD2] =	sst s26  }
0x1e: {  	s4 =	sshll.u32 s27, $0x1;
	_ =	strace $0x80000046;
	[dreg:$0x1] =	wrdreg $0xFFFFFFFF  }
0x1f: {  	s28 =	simm.s32 $_size_execute0_lowered;
	s1 =	sadd.s32 s1, s4;
	[dreg:$0x0] =	wrdreg $0x0  }
0x20: {  	s4 =	sshll.u32 s28, $0x1;
	[dreg:$0x2] =	wrdreg s1  }
0x21: {  	[dreg:$0x3] =	wrdreg s4  }
0x22: {  	[dreg:$0x4] =	wrdreg $0xC0  }
0x23: {  	_ =	task [dreg:s6], $0x5FFFF  }
0x24: {  	[dreg:$0x1] =	wrdreg $0xFFFFFFFF  }
0x25: {  	[dreg:$0x0] =	wrdreg $0x60  }
0x26: {  	[dreg:$0x2] =	wrdreg s25  }
0x27: {  	[dreg:$0x3] =	wrdreg $0xA  }
0x28: {  	_ =	task.clear_ibuf [dreg:s6], $0x4FFFF;
	_ =	strace $0x90000046  }
0x29: {  	s29 =	simm.s32 $0xA;
	_ =	strace $0x80000048  }
0x2a: {  	_ =	swait.ge [sflag:s29], $0x1  }
0x2b: {  	[sflag:s29] =	ssyncadd.s32 $0xFFFFFFFF  }
0x2c: {  	_ =	strace $0x90000048  }
0x2d: {  	_ =	sfence  }
0x2e: {  	s30 =	sld [smem:$0x0];
	_ =	sdelay $0x2  }
0x2f: {  	s31 =	sshll.u32 s3, $0xD;
	s3 =	sshrl.u32 s3, $0x2  }
0x30: {  	s2 =	sand.u32 $0x4000, s31;
	s1 =	sadd.s32 s3, s30  }
0x31: {  	s0 =	sor.u32 s2, s0;
	s1 =	sshll.u32 s1, $0x11  }
0x32: {  	s0 =	sor.u32 s1, s0  }
0x33: {  	s0 =	sadd.s32 $0x8F2B, s0  }
0x34: {  	[sflag:s0] =	ssyncadd.remote.s32 $0x1  }
0x35: {  	_ =	sfence.sel $0xFFFF  }
0x36: {  	[dreg:$0x0] =	wrdreg $0xFFFFFFFF;
	(pc) =	sbr.abs _section_cstart, $3  }
0x37: {  	[dreg:$0x1] =	wrdreg $0xFFFFFFFF  }
0x38: {  	_ =	task.clear_ibuf [dreg:s6], $0x2FFFF;
	_ =	strace $0x9FFFFFFF  }
0x39: {  	(tm) =	ssettm $0x7FFFFFFF  }
tec
execute0_lowered:
.L_overlay_start_1:
0x0: {  	(tag) =	ssettag $0x1  }
0x1: {  	s1 =	rddreg [dreg:$0x0]  }
0x2: {  	s0 =	rddreg [dreg:$0x1]  }
0x3: {  	_ =	strace $0x80000047;
	s4 =	srdreg.scid;
	s6 =	simm.s32 $0x2  }
0x4: {  	s12 =	simm.s32 $0x0;
	p0 =	por $0x0, $0x0;
	s13 =	simm.s32 $0x0  }
0x5: {  	s15 =	simm.s32 $0x0;
	s14 =	simm.s32 $0x0;
	s8 =	simm.s32 $0x0  }
.Ltmp0:
0x6: {  	s9 =	simm.s32 $0x0;
	s10 =	simm.s32 $0x0;
	(pc) =	sbr.rel .LBB1_1-.Ltmp0, $4  }
0x7: {  	s2 =	sadd.s32 $0x1200, s1;
	s3 =	sadd.s32 $0x101200, s1;
	s5 =	sshll.u32 s4, $0x4  }
0x8: {  	s1 =	stileid.u32;
	s4 =	simm.s32 $0x1;
	s5 =	sand.u32 $0x10, s5  }
0x9: {  	s7 =	simm.s32 $0x0;
	[sflag:s4] =	ssyncpa.u1 $0x0;
	s5 =	sor.u32 s1, s5  }
0xa: {  	[sflag:s6] =	ssyncpa.u1 $0x0;
	s6 =	simm.s32 $0x800;
	s11 =	smov.u32 s5  }
.LBB1_7:
0xb: {  	s16 =	sadd.s32 $0x80, s8  }
0xc: {  	s12 =	sadd.s32 $0x20, s9;
	s17 =	smov.u32 s9;
	p2 =	sgt.s32 s16, $0xFF  }
0xd: {  	s17 =	smov.u32 @p2 s12  }
0xe: {  	s18 =	smov.u32 s10;
	s12 =	sadd.s32 $0x4, s10;
	p3 =	sgt.s32 s17, $0x1F  }
0xf: {  	s18 =	smov.u32 @p3 s12  }
0x10: {  	s19 =	smov.u32 s11;
	s12 =	sadd.s32 $0x20, s11;
	p4 =	sgt.s32 s18, $0x7  }
0x11: {  	p1 =	slt.u32 s7, $0x2;
	s19 =	smov.u32 @p4 s12  }
0x12: {  	s7 =	sadd.s32 $0x1, s7;
	s16 =	simm.s32 @p2 $0x0;
	p2 =	sgt.s32 s19, $0x7F  }
0x13: {  	s20 =	simm.s32 @!p1 $0x2;
	s19 =	smov.u32 @p2 s5;
	p2 =	sne.s32 s7, $0x12  }
.Ltmp1:
0x14: {  	s13 =	smov.u32 s9;
	_ =	swait.ge @!p1 [sflag:s20], $0x4000;
	(pc) =	sbr.rel @!p2 .LBB1_8-.Ltmp1, $4  }
0x15: {  	s15 =	smov.u32 s10;
	s14 =	smov.u32 s11;
	[sflag:s20] =	ssyncset.done @!p1 $0x0  }
0x16: {  	p0 =	por !p0, !p0;
	s17 =	simm.s32 @p3 $0x0;
	[sflag:s20] =	ssyncadd.s32 @!p1 $0xFFFFC000  }
0x17: {  	s9 =	smov.u32 s17;
	s18 =	simm.s32 @p4 $0x0;
	s12 =	smov.u32 s8  }
0x18: {  	s8 =	smov.u32 s16;
	s10 =	smov.u32 s18;
	s11 =	smov.u32 s19  }
.LBB1_1:
0x19: {  	p1 =	sgt.u32 s7, $0xF  }
0x1a: {  	s16 =	sxor.u32 @!p1 $0xFFFFFFFF, s7;
	s17 =	sand.u32 @!p1 $0x78, s8;
	s18 =	sshll.u32 @!p1 s9, $0x8  }
0x1b: {  	s19 =	sshll.u32 @!p1 s8, $0x3;
	s20 =	sshll.u32 @!p1 s9, $0x7;
	s16 =	sshll.u32 @!p1 s16, $0xE  }
0x1c: {  	s18 =	sand.u32 @!p1 $0x1800, s18;
	s19 =	sand.u32 @!p1 $0x1C00, s19;
	s16 =	sand.u32 @!p1 $0x4000, s16  }
0x1d: {  	s18 =	sadd.s32 @!p1 s18, s19;
	s19 =	sand.u32 @!p1 $0x300, s20;
	s20 =	sand.u32 @!p1 $0x80, s20  }
0x1e: {  	s18 =	sor.u32 @!p1 s19, s18;
	s17 =	sor.u32 @!p1 s17, s20;
	s19 =	sshll.u32 @!p1 s11, $0xD  }
0x1f: {  	s20 =	sshll.u32 @!p1 s10, $0xA;
	s18 =	sshrl.u32 @!p1 s18, $0x3;
	s19 =	sadd.s32 @!p1 s2, s19  }
0x20: {  	s17 =	sshrl.u32 @!p1 s17, $0x3;
	s19 =	sadd.s32 @!p1 s20, s19;
	s20 =	sand.u32 @!p1 $0x7, s8  }
0x21: {  	s18 =	sand.u32 @!p1 $0x3E0, s18;
	s17 =	sadd.s32 @!p1 s17, s19;
	s19 =	sshll.u32 @!p1 s20, $0x12  }
0x22: {  	s17 =	sadd.s32 @!p1 s18, s17;
	s18 =	sor.u32 @!p1 $0x400, s19;
	s19 =	simm.s32 @!p1 $0x800  }
0x23: {  	[tilespmem:s16], [sflag:$0x1] =	stream.strided.gather @!p1 [hbm4b:s17+s18], $0x4000, s19, s18, $0x38;
	[tilespmem:$0x10000] =	vst v63  }
0x24: {  	p1 =	seq.s32 s7, $0x0  }
0x25: {  	p2 =	seq.s32 @!p1 s7, $0x11  }
0x26: {  	p1 =	por p1, p2  }
.Ltmp2:
0x27: {  	_ = 	snop;
	(pc) =	sbr.rel @p1 .LBB1_7-.Ltmp2, $1  }
0x28: {  	_ =	sdelay $0x3  }
0x29: {  	s16 =	simm.s32 $0x1;
	_ =	swait.ge [sflag:s4], $0x4000;
	s19 =	sshll.u32 s7, $0xE  }
0x2a: {  	s16 =	simm.s32 @!p0 $0x0;
	[sflag:s4] =	ssyncset.done $0x0;
	s31 =	sand.u32 $0x4000, s19  }
0x2b: {  	s19 =	simm.s32 $0x0;
	s16 =	sshll.u32 s16, $0xE;
	[sflag:s4] =	ssyncadd.s32 $0xFFFFC000  }
0x2c: {  	s17 =	sor.u32 $0x8040, s16;
	s18 =	sor.u32 $0x40, s16;
	s16 =	sor.u32 $0x8000, s31  }
.LBB1_3:
0x2d: {  	v0 =	vmov s18;
	_ =	sdelay $0x3  }
0x2e: {  	s21 =	simm.s32 $0x0  }
0x2f: {  	v6 =	vld.idx.msk [tilespmem:v0+s21+$0x30 ss:$0x1], $0xffff  }
0x30: {  	v7 =	vld.idx.msk [tilespmem:v0+s21+$0xFFFFFFC0 ss:$0x1], $0xffff  }
0x31: {  	v5 =	vld.idx.msk [tilespmem:v0+s21+$0xFFFFFFD0 ss:$0x1], $0xffff  }
0x32: {  	v4 =	vld.idx.msk [tilespmem:v0+s21+$0xFFFFFFE0 ss:$0x1], $0xffff  }
0x33: {  	v3 =	vld.idx.msk [tilespmem:v0+s21+$0xFFFFFFF0 ss:$0x1], $0xffff  }
0x34: {  	v1 =	vld.idx.msk [tilespmem:v0+s21+$0x0 ss:$0x1], $0xffff  }
0x35: {  	v2 =	vld.idx.msk [tilespmem:v0+s21+$0x10 ss:$0x1], $0xffff;
	[tilespmem:s17+$0x30] =	vst v6  }
0x36: {  	s20 =	simm.s32 $0x80;
	s22 =	simm.s32 $0x400;
	[tilespmem:s17+$0xFFFFFFC0] =	vst v7;
	v6 =	vld.idx.msk [tilespmem:v0+s21+$0x20 ss:$0x1], $0xffff;
	s21 =	smov.u32 s17  }
.LBB1_4:
0x37: {  	p1 =	sne.s32 s22, $0x3E00;
	v7 =	vld.idx.msk [tilespmem:v0+s20+$0x30 ss:$0x1], $0xffff;
	[tilespmem:s21+$0xFFFFFFD0] =	vst v5  }
0x38: {  	v8 =	vld.idx.msk [tilespmem:v0+s20+$0xFFFFFFC0 ss:$0x1], $0xffff;
	[tilespmem:s21+$0xFFFFFFE0] =	vst v4  }
0x39: {  	v5 =	vld.idx.msk [tilespmem:v0+s20+$0xFFFFFFD0 ss:$0x1], $0xffff;
	[tilespmem:s21+$0xFFFFFFF0] =	vst v3  }
.Ltmp3:
0x3a: {  	v4 =	vld.idx.msk [tilespmem:v0+s20+$0xFFFFFFE0 ss:$0x1], $0xffff;
	[tilespmem:s21+$0x0] =	vst v1;
	(pc) =	sbr.rel @p1 .LBB1_4-.Ltmp3, $4  }
0x3b: {  	v3 =	vld.idx.msk [tilespmem:v0+s20+$0xFFFFFFF0 ss:$0x1], $0xffff;
	[tilespmem:s21+$0x10] =	vst v2  }
0x3c: {  	v1 =	vld.idx.msk [tilespmem:v0+s20+$0x0 ss:$0x1], $0xffff;
	[tilespmem:s21+$0x20] =	vst v6;
	s21 =	sadd.s32 $0x200, s21  }
0x3d: {  	v2 =	vld.idx.msk [tilespmem:v0+s20+$0x10 ss:$0x1], $0xffff;
	[tilespmem:s21+$0x30] =	vst v7  }
0x3e: {  	[tilespmem:s21+$0xFFFFFFC0] =	vst v8;
	v6 =	vld.idx.msk [tilespmem:v0+s20+$0x20 ss:$0x1], $0xffff;
	s20 =	sshra.s32 s22, $0x2;
	s22 =	sadd.s32 $0x200, s22  }
0x3f: {  	_ =	sdelay $0x2  }
0x40: {  	[tilespmem:s21+$0xFFFFFFD0] =	vst v5  }
0x41: {  	v56 =	vld.idx.msk [tilespmem:v0+s20+$0x30 ss:$0x1], $0xffff;
	[tilespmem:s21+$0xFFFFFFE0] =	vst v4  }
0x42: {  	v57 =	vld.idx.msk [tilespmem:v0+s20+$0xFFFFFFC0 ss:$0x1], $0xffff;
	[tilespmem:s21+$0xFFFFFFF0] =	vst v3  }
0x43: {  	v58 =	vld.idx.msk [tilespmem:v0+s20+$0xFFFFFFD0 ss:$0x1], $0xffff;
	[tilespmem:s21+$0x0] =	vst v1  }
0x44: {  	v59 =	vld.idx.msk [tilespmem:v0+s20+$0xFFFFFFE0 ss:$0x1], $0xffff;
	[tilespmem:s21+$0x10] =	vst v2  }
0x45: {  	v60 =	vld.idx.msk [tilespmem:v0+s20+$0xFFFFFFF0 ss:$0x1], $0xffff;
	s31 =	sadd.s32 $0x200, s21;
	[tilespmem:s21+$0x20] =	vst v6  }
0x46: {  	v61 =	vld.idx.msk [tilespmem:v0+s20+$0x0 ss:$0x1], $0xffff;
	[tilespmem:s31+$0x30] =	vst v56  }
0x47: {  	v62 =	vld.idx.msk [tilespmem:v0+s20+$0x10 ss:$0x1], $0xffff;
	s19 =	sadd.s32 $0x1, s19;
	[tilespmem:s31+$0xFFFFFFC0] =	vst v57  }
0x48: {  	v63 =	vld.idx.msk [tilespmem:v0+s20+$0x20 ss:$0x1], $0xffff;
	p1 =	sne.s32 s19, $0x4;
	[tilespmem:s31+$0xFFFFFFD0] =	vst v58  }
.Ltmp4:
0x49: {  	[tilespmem:s31+$0xFFFFFFE0] =	vst v59;
	(pc) =	sbr.rel @p1 .LBB1_3-.Ltmp4, $4  }
0x4a: {  	[tilespmem:s31+$0xFFFFFFF0] =	vst v60  }
0x4b: {  	[tilespmem:s31+$0x0] =	vst v61  }
0x4c: {  	[tilespmem:s31+$0x10] =	vst v62  }
0x4d: {  	s17 =	sadd.s32 $0x80, s17;
	s18 =	sadd.s32 $0x1000, s18;
	[tilespmem:s31+$0x20] =	vst v63  }
0x4e: {  	s17 =	sshll.u32 s12, $0x3;
	s15 =	sshll.u32 s15, $0x7;
	s18 =	sand.u32 $0x78, s12  }
0x4f: {  	s14 =	sshll.u32 s14, $0xD;
	s13 =	sshll.u32 s13, $0x8;
	s15 =	sand.u32 $0x380, s15  }
.Ltmp5:
0x50: {  	s17 =	sand.u32 $0x400, s17;
	s15 =	sor.u32 s18, s15;
	(pc) =	sbr.rel .LBB1_7-.Ltmp5, $4  }
0x51: {  	s31 =	sand.u32 $0x7, s12;
	s14 =	sadd.s32 s3, s14;
	s15 =	sor.u32 s17, s15  }
0x52: {  	s12 =	sshll.u32 s31, $0x12;
	s13 =	sadd.s32 s13, s14;
	s15 =	sshrl.u32 s15, $0x3  }
0x53: {  	s12 =	sor.u32 $0x200, s12;
	s13 =	sadd.s32 s15, s13  }
0x54: {  	[hbm4b:s13+s12] =	stream.strided.scatter [tilespmem:s16], [sflag:$0x2], $0x4000, s6, s12, $0x38;
	[tilespmem:$0x10000] =	vst v63  }
.LBB1_8:
0x55: {  	_ =	sfence.sel $0x180000  }
0x56: {  	s2 =	simm.s32 $0x1;
	[bflag:$0x0] =	sbarrier.arrive $0xFFFF  }
0x57: {  	s31 =	simm.s32 $0x2;
	[sflag:s2] =	ssyncpa.u1 $0x1  }
0x58: {  	[sflag:s31] =	ssyncpa.u1 $0x1  }
0x59: {  	p0 =	sne.s32 s1, $0x0;
	_ =	strace $0x90000047  }
0x5a: {  	s0 =	sadd.s32 @!p0 $0x100000, s0;
	[bflag:$0x2] =	sbarrier.arrive $0xFFFF  }
0x5b: {  	[sflag:s0] =	ssyncadd.tile.s32 @!p0 $0x1;
	_ =	shalt  }
.Lfunc_end1:
_tile_overlayer_lowered:
.L_overlay_start_2:
0x5c: {  	(tag) =	ssettag $0x2  }
0x5d: {  	s0 =	rddreg [dreg:$0x0];
	s2 =	stileid.u32  }
0x5e: {  	s1 =	rddreg [dreg:$0x1];
	p0 =	sne.s32 s2, $0x0  }
0x5f: {  	s3 =	rddreg [dreg:$0x2];
	[bflag:$0x3] =	sbarrier.arrive $0xFFFF;
	s2 =	simm.s32 @!p0 $0x1C01  }
0x60: {  	[timem:s3], [sflag:s2] =	dma.local @!p0 [hbm:s0], s1  }
0x61: {  	s0 =	simm.s32 @!p0 $0x1  }
0x62: {  	_ =	swait.ge @!p0 [sflag:s0], s1  }
0x63: {  	s1 =	ssub.s32 @!p0 $0x0, s1;
	[sflag:s0] =	ssyncset.done @!p0 $0x0  }
0x64: {  	[sflag:s0] =	ssyncadd.s32 @!p0 s1  }
0x65: {  	[bflag:$0x3] =	sbarrier.arrive $0xFFFF  }
0x66: {  	_ =	shalt  }

// kernel: sparse-core-data-format-call.cloned.1.call-start
scs
called_computation_lowered:
.L_overlay_start_0:
0x0: {  	s2 =	sld [smem:$0x3FD9]  }
0x1: {  	s3 =	sld [smem:$0x3FFE];
	_ =	sdelay $0x1  }
0x2: {  	s1 =	srdreg.scid  }
0x3: {  	s0 =	sand.u32 $0x1, s1  }
0x4: {  	s18 =	sshll.u32 s0, $0xA;
	s2 =	sadd.s32 s3, s2  }
0x5: {  	s2 =	sadd.s32 s2, s18  }
0x6: {  	[smem:$0x3FC5] =	sst s2  }
0x7: {  	_ = 	snop  }
0x8: {  	(tm) =	ssettm $0x1  }
0x9: {  	s19 =	sld [smem:$0x3FFB];
	_ =	sdelay $0x3  }
0xa: {  	_ =	strace s19  }
0xb: {  	s2 =	sld [smem:$0x3FFC];
	_ =	sdelay $0x3  }
0xc: {  	_ =	strace s2  }
0xd: {  	s2 =	sld [smem:$0x3FFD];
	_ =	sdelay $0x3  }
0xe: {  	_ =	strace s2  }
0xf: {  	_ =	strace $0x8FFFFFFF  }
0x10: {  	s20 =	sld [smem:$0x3FDB];
	_ =	sdelay $0x1  }
0x11: {  	s21 =	simm.s32 $_scs_section_size  }
0x12: {  	s4 =	simm.s32 $_size__tile_overlayer_lowered;
	s5 =	simm.s32 $_tile_overlayer_lowered  }
0x13: {  	s6 =	simm.s32 $0x1BFF;
	s22 =	sshll.u32 s5, $0x1;
	s3 =	sadd.s32 s21, s20  }
0x14: {  	s23 =	simm.s32 $0x0;
	s4 =	sshll.u32 s4, $0x1;
	s5 =	sadd.s32 s22, s3  }
0x15: {  	[timem:s23], [sflag:s6] =	dma.local [hbm:s5], s4  }
0x16: {  	_ =	swait.ge [sflag:s6], s4  }
0x17: {  	s4 =	ssub.s32 $0x0, s4;
	[sflag:s6] =	ssyncset.done $0x0  }
0x18: {  	[sflag:s6] =	ssyncadd.s32 s4;
	_ =	sdelay $0x1  }
0x19: {  	s24 =	simm.s32 $0x1B8B  }
0x1a: {  	_ =	swait.ge [sflag:s24], $0x1  }
0x1b: {  	[sflag:s24] =	ssyncset.done $0x0  }
0x1c: {  	[sflag:s24] =	ssyncadd.s32 $0xFFFFFFFF  }
0x1d: {  	s4 =	sld [smem:$0x0]  }
0x1e: {  	s5 =	sand.u32 $0xFFFFFFFE, s1  }
0x1f: {  	p0 =	sne.s32 s1, s5  }
0x20: {  	s5 =	sshll.u32 @p0 s5, $0xE  }
0x21: {  	s5 =	sadd.s32 @p0 $0x11B8D, s5;
	s6 =	sshll.u32 @p0 s4, $0x11  }
0x22: {  	s5 =	sor.u32 @p0 s6, s5  }
0x23: {  	[sflag:s5] =	ssyncadd.remote.s32 @p0 $0x1;
	_ =	sdelay $0x1  }
0x24: {  	s5 =	simm.s32 @p0 $0x1B8D  }
0x25: {  	_ =	swait.eq @p0 [sflag:s5], $0x1  }
0x26: {  	[sflag:s5] =	ssyncadd.s32 @p0 $0xFFFFFFFF  }
0x27: {  	s6 =	sshll.u32 @!p0 s1, $0xE  }
0x28: {  	s6 =	sor.u32 @!p0 $0x4000, s6;
	s5 =	simm.s32 @!p0 $0x1B8D  }
0x29: {  	s4 =	sshll.u32 @!p0 s4, $0x11;
	s6 =	sadd.s32 @!p0 $0x11B8D, s6;
	_ =	swait.eq @!p0 [sflag:s5], $0x1  }
0x2a: {  	s4 =	sor.u32 @!p0 s4, s6;
	[sflag:s5] =	ssyncadd.s32 @!p0 $0xFFFFFFFF  }
0x2b: {  	s26 =	simm.s32 $0x1B8E;
	s25 =	sld [smem:$0x3FFE];
	[sflag:s4] =	ssyncadd.remote.s32 @!p0 $0x1  }
0x2c: {  	s27 =	simm.s32 $execute0_lowered;
	[smem:$0x3FD2] =	sst s26  }
0x2d: {  	s5 =	sshll.u32 s27, $0x1;
	_ =	strace $0x80000049;
	[dreg:$0x1] =	wrdreg $0xFFFFFFFF  }
0x2e: {  	s28 =	simm.s32 $_size_execute0_lowered;
	s3 =	sadd.s32 s3, s5;
	[dreg:$0x0] =	wrdreg $0x0  }
0x2f: {  	s5 =	sshll.u32 s28, $0x1;
	[dreg:$0x2] =	wrdreg s3  }
0x30: {  	[dreg:$0x3] =	wrdreg s5  }
0x31: {  	[dreg:$0x4] =	wrdreg $0xC0  }
0x32: {  	_ =	task [dreg:s23], $0x5FFFF  }
0x33: {  	[dreg:$0x1] =	wrdreg $0xFFFFFFFF  }
0x34: {  	[dreg:$0x0] =	wrdreg $0x60  }
0x35: {  	[dreg:$0x2] =	wrdreg s25  }
0x36: {  	[dreg:$0x3] =	wrdreg $0x9  }
0x37: {  	_ =	task.clear_ibuf [dreg:s23], $0x4FFFF;
	_ =	strace $0x90000049  }
0x38: {  	s29 =	simm.s32 $0x9;
	_ =	strace $0x8000004B  }
0x39: {  	_ =	swait.ge [sflag:s29], $0x1  }
0x3a: {  	[sflag:s29] =	ssyncadd.s32 $0xFFFFFFFF  }
0x3b: {  	_ =	strace $0x9000004B  }
0x3c: {  	_ =	sfence  }
0x3d: {  	s30 =	sld [smem:$0x0];
	_ =	sdelay $0x2  }
0x3e: {  	s31 =	sshll.u32 s1, $0xD;
	s1 =	sshrl.u32 s1, $0x2  }
0x3f: {  	s4 =	sand.u32 $0x4000, s31;
	s1 =	sadd.s32 s1, s30  }
0x40: {  	s0 =	sor.u32 s4, s0;
	s1 =	sshll.u32 s1, $0x11  }
0x41: {  	s0 =	sor.u32 s1, s0  }
0x42: {  	s0 =	sadd.s32 $0x8F2B, s0  }
0x43: {  	[sflag:s0] =	ssyncadd.remote.s32 $0x1  }
0x44: {  	_ =	sfence.sel $0xFFFF  }
0x45: {  	[dreg:$0x0] =	wrdreg $0xFFFFFFFF;
	(pc) =	sbr.abs _section_cstart, $3  }
0x46: {  	[dreg:$0x1] =	wrdreg $0xFFFFFFFF  }
0x47: {  	_ =	task.clear_ibuf [dreg:s23], $0x2FFFF;
	_ =	strace $0x9FFFFFFF  }
0x48: {  	(tm) =	ssettm $0x7FFFFFFF  }
0x49: {  	_ =	shalt  }
tec
execute0_lowered:
.L_overlay_start_1:
0x0: {  	(tag) =	ssettag $0x1  }
0x1: {  	s1 =	rddreg [dreg:$0x0]  }
0x2: {  	s0 =	rddreg [dreg:$0x1]  }
0x3: {  	_ =	strace $0x8000004A;
	s4 =	srdreg.scid;
	s6 =	simm.s32 $0x2  }
0x4: {  	s12 =	simm.s32 $0x0;
	p0 =	por $0x0, $0x0;
	s13 =	simm.s32 $0x0  }
0x5: {  	s15 =	simm.s32 $0x0;
	s14 =	simm.s32 $0x0;
	s8 =	simm.s32 $0x0  }
.Ltmp0:
0x6: {  	s9 =	simm.s32 $0x0;
	s10 =	simm.s32 $0x0;
	(pc) =	sbr.rel .LBB1_1-.Ltmp0, $4  }
0x7: {  	s2 =	sadd.s32 $0x201200, s1;
	s3 =	sadd.s32 $0x301200, s1;
	s5 =	sshll.u32 s4, $0x4  }
0x8: {  	s1 =	stileid.u32;
	s4 =	simm.s32 $0x1;
	s5 =	sand.u32 $0x10, s5  }
0x9: {  	s7 =	simm.s32 $0x0;
	[sflag:s4] =	ssyncpa.u1 $0x0;
	s5 =	sor.u32 s1, s5  }
0xa: {  	[sflag:s6] =	ssyncpa.u1 $0x0;
	s6 =	simm.s32 $0x800;
	s11 =	smov.u32 s5  }
.LBB1_7:
0xb: {  	s16 =	sadd.s32 $0x80, s8  }
0xc: {  	s12 =	sadd.s32 $0x20, s9;
	s17 =	smov.u32 s9;
	p2 =	sgt.s32 s16, $0xFF  }
0xd: {  	s17 =	smov.u32 @p2 s12  }
0xe: {  	s18 =	smov.u32 s10;
	s12 =	sadd.s32 $0x4, s10;
	p3 =	sgt.s32 s17, $0x1F  }
0xf: {  	s18 =	smov.u32 @p3 s12  }
0x10: {  	s19 =	smov.u32 s11;
	s12 =	sadd.s32 $0x20, s11;
	p4 =	sgt.s32 s18, $0x7  }
0x11: {  	p1 =	slt.u32 s7, $0x2;
	s19 =	smov.u32 @p4 s12  }
0x12: {  	s7 =	sadd.s32 $0x1, s7;
	s16 =	simm.s32 @p2 $0x0;
	p2 =	sgt.s32 s19, $0x7F  }
0x13: {  	s20 =	simm.s32 @!p1 $0x2;
	s19 =	smov.u32 @p2 s5;
	p2 =	sne.s32 s7, $0x12  }
.Ltmp1:
0x14: {  	s13 =	smov.u32 s9;
	_ =	swait.ge @!p1 [sflag:s20], $0x4000;
	(pc) =	sbr.rel @!p2 .LBB1_8-.Ltmp1, $4  }
0x15: {  	s15 =	smov.u32 s10;
	s14 =	smov.u32 s11;
	[sflag:s20] =	ssyncset.done @!p1 $0x0  }
0x16: {  	p0 =	por !p0, !p0;
	s17 =	simm.s32 @p3 $0x0;
	[sflag:s20] =	ssyncadd.s32 @!p1 $0xFFFFC000  }
0x17: {  	s9 =	smov.u32 s17;
	s18 =	simm.s32 @p4 $0x0;
	s12 =	smov.u32 s8  }
0x18: {  	s8 =	smov.u32 s16;
	s10 =	smov.u32 s18;
	s11 =	smov.u32 s19  }
.LBB1_1:
0x19: {  	p1 =	sgt.u32 s7, $0xF  }
0x1a: {  	s16 =	sxor.u32 @!p1 $0xFFFFFFFF, s7;
	s17 =	sand.u32 @!p1 $0x78, s8;
	s18 =	sshll.u32 @!p1 s9, $0x8  }
0x1b: {  	s19 =	sshll.u32 @!p1 s8, $0x3;
	s20 =	sshll.u32 @!p1 s9, $0x7;
	s16 =	sshll.u32 @!p1 s16, $0xE  }
0x1c: {  	s18 =	sand.u32 @!p1 $0x1800, s18;
	s19 =	sand.u32 @!p1 $0x1C00, s19;
	s16 =	sand.u32 @!p1 $0x4000, s16  }
0x1d: {  	s18 =	sadd.s32 @!p1 s18, s19;
	s19 =	sand.u32 @!p1 $0x300, s20;
	s20 =	sand.u32 @!p1 $0x80, s20  }
0x1e: {  	s18 =	sor.u32 @!p1 s19, s18;
	s17 =	sor.u32 @!p1 s17, s20;
	s19 =	sshll.u32 @!p1 s11, $0xD  }
0x1f: {  	s20 =	sshll.u32 @!p1 s10, $0xA;
	s18 =	sshrl.u32 @!p1 s18, $0x3;
	s19 =	sadd.s32 @!p1 s2, s19  }
0x20: {  	s17 =	sshrl.u32 @!p1 s17, $0x3;
	s19 =	sadd.s32 @!p1 s20, s19;
	s20 =	sand.u32 @!p1 $0x7, s8  }
0x21: {  	s18 =	sand.u32 @!p1 $0x3E0, s18;
	s17 =	sadd.s32 @!p1 s17, s19;
	s19 =	sshll.u32 @!p1 s20, $0x12  }
0x22: {  	s17 =	sadd.s32 @!p1 s18, s17;
	s18 =	sor.u32 @!p1 $0x400, s19;
	s19 =	simm.s32 @!p1 $0x800  }
0x23: {  	[tilespmem:s16], [sflag:$0x1] =	stream.strided.gather @!p1 [hbm4b:s17+s18], $0x4000, s19, s18, $0x38;
	[tilespmem:$0x10000] =	vst v63  }
0x24: {  	p1 =	seq.s32 s7, $0x0  }
0x25: {  	p2 =	seq.s32 @!p1 s7, $0x11  }
0x26: {  	p1 =	por p1, p2  }
.Ltmp2:
0x27: {  	_ = 	snop;
	(pc) =	sbr.rel @p1 .LBB1_7-.Ltmp2, $1  }
0x28: {  	_ =	sdelay $0x3  }
0x29: {  	s16 =	simm.s32 $0x1;
	_ =	swait.ge [sflag:s4], $0x4000;
	s19 =	sshll.u32 s7, $0xE  }
0x2a: {  	s16 =	simm.s32 @!p0 $0x0;
	[sflag:s4] =	ssyncset.done $0x0;
	s31 =	sand.u32 $0x4000, s19  }
0x2b: {  	s19 =	simm.s32 $0x0;
	s16 =	sshll.u32 s16, $0xE;
	[sflag:s4] =	ssyncadd.s32 $0xFFFFC000  }
0x2c: {  	s17 =	sor.u32 $0x8040, s16;
	s18 =	sor.u32 $0x40, s16;
	s16 =	sor.u32 $0x8000, s31  }
.LBB1_3:
0x2d: {  	v0 =	vmov s18;
	_ =	sdelay $0x3  }
0x2e: {  	s21 =	simm.s32 $0x0  }
0x2f: {  	v6 =	vld.idx.msk [tilespmem:v0+s21+$0x30 ss:$0x1], $0xffff  }
0x30: {  	v7 =	vld.idx.msk [tilespmem:v0+s21+$0xFFFFFFC0 ss:$0x1], $0xffff  }
0x31: {  	v5 =	vld.idx.msk [tilespmem:v0+s21+$0xFFFFFFD0 ss:$0x1], $0xffff  }
0x32: {  	v4 =	vld.idx.msk [tilespmem:v0+s21+$0xFFFFFFE0 ss:$0x1], $0xffff  }
0x33: {  	v3 =	vld.idx.msk [tilespmem:v0+s21+$0xFFFFFFF0 ss:$0x1], $0xffff  }
0x34: {  	v1 =	vld.idx.msk [tilespmem:v0+s21+$0x0 ss:$0x1], $0xffff  }
0x35: {  	v2 =	vld.idx.msk [tilespmem:v0+s21+$0x10 ss:$0x1], $0xffff;
	[tilespmem:s17+$0x30] =	vst v6  }
0x36: {  	s20 =	simm.s32 $0x80;
	s22 =	simm.s32 $0x400;
	[tilespmem:s17+$0xFFFFFFC0] =	vst v7;
	v6 =	vld.idx.msk [tilespmem:v0+s21+$0x20 ss:$0x1], $0xffff;
	s21 =	smov.u32 s17  }
.LBB1_4:
0x37: {  	p1 =	sne.s32 s22, $0x3E00;
	v7 =	vld.idx.msk [tilespmem:v0+s20+$0x30 ss:$0x1], $0xffff;
	[tilespmem:s21+$0xFFFFFFD0] =	vst v5  }
0x38: {  	v8 =	vld.idx.msk [tilespmem:v0+s20+$0xFFFFFFC0 ss:$0x1], $0xffff;
	[tilespmem:s21+$0xFFFFFFE0] =	vst v4  }
0x39: {  	v5 =	vld.idx.msk [tilespmem:v0+s20+$0xFFFFFFD0 ss:$0x1], $0xffff;
	[tilespmem:s21+$0xFFFFFFF0] =	vst v3  }
.Ltmp3:
0x3a: {  	v4 =	vld.idx.msk [tilespmem:v0+s20+$0xFFFFFFE0 ss:$0x1], $0xffff;
	[tilespmem:s21+$0x0] =	vst v1;
	(pc) =	sbr.rel @p1 .LBB1_4-.Ltmp3, $4  }
0x3b: {  	v3 =	vld.idx.msk [tilespmem:v0+s20+$0xFFFFFFF0 ss:$0x1], $0xffff;
	[tilespmem:s21+$0x10] =	vst v2  }
0x3c: {  	v1 =	vld.idx.msk [tilespmem:v0+s20+$0x0 ss:$0x1], $0xffff;
	[tilespmem:s21+$0x20] =	vst v6;
	s21 =	sadd.s32 $0x200, s21  }
0x3d: {  	v2 =	vld.idx.msk [tilespmem:v0+s20+$0x10 ss:$0x1], $0xffff;
	[tilespmem:s21+$0x30] =	vst v7  }
0x3e: {  	[tilespmem:s21+$0xFFFFFFC0] =	vst v8;
	v6 =	vld.idx.msk [tilespmem:v0+s20+$0x20 ss:$0x1], $0xffff;
	s20 =	sshra.s32 s22, $0x2;
	s22 =	sadd.s32 $0x200, s22  }
0x3f: {  	_ =	sdelay $0x2  }
0x40: {  	[tilespmem:s21+$0xFFFFFFD0] =	vst v5  }
0x41: {  	v56 =	vld.idx.msk [tilespmem:v0+s20+$0x30 ss:$0x1], $0xffff;
	[tilespmem:s21+$0xFFFFFFE0] =	vst v4  }
0x42: {  	v57 =	vld.idx.msk [tilespmem:v0+s20+$0xFFFFFFC0 ss:$0x1], $0xffff;
	[tilespmem:s21+$0xFFFFFFF0] =	vst v3  }
0x43: {  	v58 =	vld.idx.msk [tilespmem:v0+s20+$0xFFFFFFD0 ss:$0x1], $0xffff;
	[tilespmem:s21+$0x0] =	vst v1  }
0x44: {  	v59 =	vld.idx.msk [tilespmem:v0+s20+$0xFFFFFFE0 ss:$0x1], $0xffff;
	[tilespmem:s21+$0x10] =	vst v2  }
0x45: {  	v60 =	vld.idx.msk [tilespmem:v0+s20+$0xFFFFFFF0 ss:$0x1], $0xffff;
	s31 =	sadd.s32 $0x200, s21;
	[tilespmem:s21+$0x20] =	vst v6  }
0x46: {  	v61 =	vld.idx.msk [tilespmem:v0+s20+$0x0 ss:$0x1], $0xffff;
	[tilespmem:s31+$0x30] =	vst v56  }
0x47: {  	v62 =	vld.idx.msk [tilespmem:v0+s20+$0x10 ss:$0x1], $0xffff;
	s19 =	sadd.s32 $0x1, s19;
	[tilespmem:s31+$0xFFFFFFC0] =	vst v57  }
0x48: {  	v63 =	vld.idx.msk [tilespmem:v0+s20+$0x20 ss:$0x1], $0xffff;
	p1 =	sne.s32 s19, $0x4;
	[tilespmem:s31+$0xFFFFFFD0] =	vst v58  }
.Ltmp4:
0x49: {  	[tilespmem:s31+$0xFFFFFFE0] =	vst v59;
	(pc) =	sbr.rel @p1 .LBB1_3-.Ltmp4, $4  }
0x4a: {  	[tilespmem:s31+$0xFFFFFFF0] =	vst v60  }
0x4b: {  	[tilespmem:s31+$0x0] =	vst v61  }
0x4c: {  	[tilespmem:s31+$0x10] =	vst v62  }
0x4d: {  	s17 =	sadd.s32 $0x80, s17;
	s18 =	sadd.s32 $0x1000, s18;
	[tilespmem:s31+$0x20] =	vst v63  }
0x4e: {  	s17 =	sshll.u32 s12, $0x3;
	s15 =	sshll.u32 s15, $0x7;
	s18 =	sand.u32 $0x78, s12  }
0x4f: {  	s14 =	sshll.u32 s14, $0xD;
	s13 =	sshll.u32 s13, $0x8;
	s15 =	sand.u32 $0x380, s15  }
.Ltmp5:
0x50: {  	s17 =	sand.u32 $0x400, s17;
	s15 =	sor.u32 s18, s15;
	(pc) =	sbr.rel .LBB1_7-.Ltmp5, $4  }
0x51: {  	s31 =	sand.u32 $0x7, s12;
	s14 =	sadd.s32 s3, s14;
	s15 =	sor.u32 s17, s15  }
0x52: {  	s12 =	sshll.u32 s31, $0x12;
	s13 =	sadd.s32 s13, s14;
	s15 =	sshrl.u32 s15, $0x3  }
0x53: {  	s12 =	sor.u32 $0x200, s12;
	s13 =	sadd.s32 s15, s13  }
0x54: {  	[hbm4b:s13+s12] =	stream.strided.scatter [tilespmem:s16], [sflag:$0x2], $0x4000, s6, s12, $0x38;
	[tilespmem:$0x10000] =	vst v63  }
.LBB1_8:
0x55: {  	_ =	sfence.sel $0x180000  }
0x56: {  	s2 =	simm.s32 $0x1;
	[bflag:$0x0] =	sbarrier.arrive $0xFFFF  }
0x57: {  	s31 =	simm.s32 $0x2;
	[sflag:s2] =	ssyncpa.u1 $0x1  }
0x58: {  	[sflag:s31] =	ssyncpa.u1 $0x1  }
0x59: {  	p0 =	sne.s32 s1, $0x0;
	_ =	strace $0x9000004A  }
0x5a: {  	s0 =	sadd.s32 @!p0 $0x100000, s0;
	[bflag:$0x2] =	sbarrier.arrive $0xFFFF  }
0x5b: {  	[sflag:s0] =	ssyncadd.tile.s32 @!p0 $0x1;
	_ =	shalt  }
.Lfunc_end1:
_tile_overlayer_lowered:
.L_overlay_start_2:
0x5c: {  	(tag) =	ssettag $0x2  }
0x5d: {  	s0 =	rddreg [dreg:$0x0];
	s2 =	stileid.u32  }
0x5e: {  	s1 =	rddreg [dreg:$0x1];
	p0 =	sne.s32 s2, $0x0  }
0x5f: {  	s3 =	rddreg [dreg:$0x2];
	[bflag:$0x3] =	sbarrier.arrive $0xFFFF;
	s2 =	simm.s32 @!p0 $0x1C01  }
0x60: {  	[timem:s3], [sflag:s2] =	dma.local @!p0 [hbm:s0], s1  }
0x61: {  	s0 =	simm.s32 @!p0 $0x1  }
0x62: {  	_ =	swait.ge @!p0 [sflag:s0], s1  }
0x63: {  	s1 =	ssub.s32 @!p0 $0x0, s1;
	[sflag:s0] =	ssyncset.done @!p0 $0x0  }
0x64: {  	[sflag:s0] =	ssyncadd.s32 @!p0 s1  }
0x65: {  	[bflag:$0x3] =	sbarrier.arrive $0xFFFF  }
0x66: {  	_ =	shalt  }

</sc_bundles>
